<compile_context>
chip_gen: v7x
topology: tpu7x:2x2x1
jax: 0.10.2.dev20260603
libtpu: 0.0.44.dev20260713+nightly
codegen_flags: <defaults>
</compile_context>

<pallas_src>
import functools

import jax
import jax.numpy as jnp
from jax import lax
from jax.experimental import pallas as pl
from jax.experimental.pallas import tpu as pltpu
from jax.experimental.pallas import tpu_sc as plsc

N = 10000
D = 128
H = 128
C = 40
E = 320000

NCORES = 2
NSUB = 16
NW = NCORES * NSUB
CHUNK = 128
NJ = -(-E // (NW * CHUNK))
E_PAD = NW * CHUNK * NJ
NP = 10240
NPT = NP // NSUB
C_PAD = 128

_MESH = plsc.VectorSubcoreMesh(core_axis_name="c", subcore_axis_name="s")


@functools.partial(
    pl.kernel,
    out_type=jax.ShapeDtypeStruct((NCORES, NP, 16), jnp.float32),
    mesh=_MESH,
    scratch_types=[
        pltpu.VMEM((NJ, CHUNK), jnp.int32),
        pltpu.VMEM((CHUNK, 16), jnp.float32),
        pltpu.VMEM((CHUNK, 16), jnp.float32),
        pltpu.VMEM_SHARED((NP, 16), jnp.float32),
    ],
)
def _hist_kernel(col_hbm, hist_hbm, col_v, ones_v, zeros_v, hist_sh):
    c = lax.axis_index("c")
    s = lax.axis_index("s")
    t = c * NSUB + s

    def fill(i, _):
        ones_v[i, :] = jnp.ones((16,), jnp.float32)
        zeros_v[i, :] = jnp.zeros((16,), jnp.float32)
        return 0

    lax.fori_loop(0, CHUNK, fill, 0)

    def zc(k, _):
        pltpu.sync_copy(zeros_v, hist_sh.at[pl.ds(s * NPT + k * CHUNK, CHUNK)])
        return 0

    lax.fori_loop(0, NPT // CHUNK, zc, 0)
    pltpu.sync_copy(col_hbm.at[t], col_v)
    plsc.subcore_barrier()

    def body(j, _):
        pltpu.sync_copy(ones_v, hist_sh.at[col_v.at[j]], add=True)
        return 0

    lax.fori_loop(0, NJ, body, 0)
    plsc.subcore_barrier()

    def wb(k, _):
        pltpu.sync_copy(hist_sh.at[pl.ds(s * NPT + k * CHUNK, CHUNK)],
                        hist_hbm.at[c, pl.ds(s * NPT + k * CHUNK, CHUNK)])
        return 0

    lax.fori_loop(0, NPT // CHUNK, wb, 0)


def _make_agg(Wd):
    @functools.partial(
        pl.kernel,
        out_type=jax.ShapeDtypeStruct((NCORES, NP, Wd), jnp.float32),
        mesh=_MESH,
        scratch_types=[
            pltpu.VMEM((NJ, CHUNK), jnp.int32),
            pltpu.VMEM((NJ, CHUNK), jnp.int32),
            pltpu.VMEM((CHUNK, Wd), jnp.float32),
            pltpu.VMEM_SHARED((NP, Wd), jnp.float32),
            pltpu.SemaphoreType.DMA,
        ],
    )
    def _agg(g_hbm, row_hbm, col_hbm, out_hbm, row_v, col_v, stage_v,
             acc_sh, sem):
        c = lax.axis_index("c")
        s = lax.axis_index("s")
        t = c * NSUB + s
        kw = Wd // 16

        def fz(i, _):
            stage_v[i // kw, pl.ds((i % kw) * 16, 16)] = jnp.zeros((16,), jnp.float32)
            return 0

        lax.fori_loop(0, CHUNK * kw, fz, 0)

        def zc(k, _):
            pltpu.sync_copy(stage_v, acc_sh.at[pl.ds(s * NPT + k * CHUNK, CHUNK)])
            return 0

        lax.fori_loop(0, NPT // CHUNK, zc, 0)
        pltpu.sync_copy(row_hbm.at[t], row_v)
        pltpu.sync_copy(col_hbm.at[t], col_v)
        plsc.subcore_barrier()

        def body(j, _):
            pltpu.async_copy(g_hbm.at[row_v.at[j]], stage_v, sem).wait()
            pltpu.sync_copy(stage_v, acc_sh.at[col_v.at[j]], add=True)
            return 0

        lax.fori_loop(0, NJ, body, 0)
        plsc.subcore_barrier()

        def wb(k, _):
            pltpu.sync_copy(acc_sh.at[pl.ds(s * NPT + k * CHUNK, CHUNK)],
                            out_hbm.at[c, pl.ds(s * NPT + k * CHUNK, CHUNK)])
            return 0

        lax.fori_loop(0, NPT // CHUNK, wb, 0)

    return _agg


_agg128 = _make_agg(H)

_R = 1000


def _tc1a_body(x_ref, w_ref, h_ref):
    h_ref[...] = jnp.dot(x_ref[...], w_ref[...],
                         preferred_element_type=jnp.float32)


_tc1a = pl.pallas_call(
    _tc1a_body,
    grid=(N // _R,),
    in_specs=[
        pl.BlockSpec((_R, D), lambda i: (i, 0)),
        pl.BlockSpec((D, H), lambda i: (0, 0)),
    ],
    out_specs=pl.BlockSpec((_R, H), lambda i: (i, 0)),
    out_shape=jax.ShapeDtypeStruct((N, H), jnp.float32),
)


def _tc1b_body(hist_ref, h_ref, g_ref, dis_ref):
    hist = hist_ref[...]
    deg = hist[0] + hist[1]
    dis = lax.rsqrt(deg[:, 0:1] + 1.0)
    g_ref[...] = h_ref[...] * dis
    dis_ref[...] = dis


_tc1b = pl.pallas_call(
    _tc1b_body,
    grid=(N // _R,),
    in_specs=[
        pl.BlockSpec((NCORES, _R, 16), lambda i: (0, i, 0)),
        pl.BlockSpec((_R, H), lambda i: (i, 0)),
    ],
    out_specs=[
        pl.BlockSpec((_R, H), lambda i: (i, 0)),
        pl.BlockSpec((_R, 1), lambda i: (i, 0)),
    ],
    out_shape=[
        jax.ShapeDtypeStruct((N, H), jnp.float32),
        jax.ShapeDtypeStruct((N, 1), jnp.float32),
    ],
)


def _tc2_body(acc_ref, g1_ref, dis_ref, b1_ref, w2_ref, hid_ref, g2_ref):
    a = acc_ref[0] + acc_ref[1] + g1_ref[...]
    dis = dis_ref[...]
    h = jnp.maximum(dis * a + b1_ref[...], 0.0)
    hid_ref[...] = h
    g2_ref[...] = dis * jnp.dot(h, w2_ref[...], preferred_element_type=jnp.float32)


_tc2 = pl.pallas_call(
    _tc2_body,
    grid=(N // _R,),
    in_specs=[
        pl.BlockSpec((NCORES, _R, H), lambda i: (0, i, 0)),
        pl.BlockSpec((_R, H), lambda i: (i, 0)),
        pl.BlockSpec((_R, 1), lambda i: (i, 0)),
        pl.BlockSpec((1, H), lambda i: (0, 0)),
        pl.BlockSpec((H, C_PAD), lambda i: (0, 0)),
    ],
    out_specs=[
        pl.BlockSpec((_R, H), lambda i: (i, 0)),
        pl.BlockSpec((_R, C_PAD), lambda i: (i, 0)),
    ],
    out_shape=[
        jax.ShapeDtypeStruct((N, H), jnp.float32),
        jax.ShapeDtypeStruct((N, C_PAD), jnp.float32),
    ],
)


def _tc3_body(acc_ref, g2_ref, dis_ref, b2_ref, out_ref):
    a = acc_ref[0] + acc_ref[1] + g2_ref[...]
    out_ref[...] = dis_ref[...] * a + b2_ref[...]


_tc3 = pl.pallas_call(
    _tc3_body,
    grid=(N // _R,),
    in_specs=[
        pl.BlockSpec((NCORES, _R, C_PAD), lambda i: (0, i, 0)),
        pl.BlockSpec((_R, C_PAD), lambda i: (i, 0)),
        pl.BlockSpec((_R, 1), lambda i: (i, 0)),
        pl.BlockSpec((1, C_PAD), lambda i: (0, 0)),
    ],
    out_specs=pl.BlockSpec((_R, C_PAD), lambda i: (i, 0)),
    out_shape=jax.ShapeDtypeStruct((N, C_PAD), jnp.float32),
)


def kernel(x, edge_index, W1, b1, W2, b2):
    row = edge_index[0]
    col = edge_index[1]
    pad = E_PAD - E
    rowp = jnp.concatenate([row, jnp.zeros((pad,), row.dtype)]).reshape(NW, NJ, CHUNK)
    colp = jnp.concatenate([col, jnp.full((pad,), N, col.dtype)]).reshape(NW, NJ, CHUNK)

    h1 = _tc1a(x, W1)
    hist = _hist_kernel(colp)[:, :N, :]
    g1, dis = _tc1b(hist, h1)
    acc1 = _agg128(g1, rowp, colp)[:, :N, :]
    hidden, g2 = _tc2(acc1, g1, dis, b1.reshape(1, H),
                      jnp.zeros((H, C_PAD), W2.dtype).at[:, :C].set(W2))
    acc2 = _agg128(g2, rowp, colp)[:, :N, :]
    out = _tc3(acc2, g2, dis, jnp.zeros((1, C_PAD), b2.dtype).at[0, :C].set(b2))
    return out[:, :C], hidden

# --- scband reference (transcript-rebuilt; emitter-appended) ---
"""Pipeline reference for scband-gcn-77962246357283 (READ-ONLY COPY).

The authoritative reference and input builder live on the scoring server;
editing this copy changes nothing except your own understanding.
"""

import jax, jax.numpy as jnp
import numpy as np

N = 10000
E = 320000
D = 128
H = 128
C = 40


def gcn_conv(x, edge_index, W, b):
    n = x.shape[0]
    loops = jnp.arange(n, dtype=edge_index.dtype)
    row = jnp.concatenate([edge_index[0], loops])
    col = jnp.concatenate([edge_index[1], loops])
    ew = jnp.ones(row.shape[0], dtype=x.dtype)
    deg = jax.ops.segment_sum(ew, col, num_segments=n)
    deg_inv_sqrt = jnp.where(deg > 0, jax.lax.rsqrt(deg), 0.0)
    norm = deg_inv_sqrt[row] * ew * deg_inv_sqrt[col]
    h = x @ W
    msg = h[row] * norm[:, None]
    out = jax.ops.segment_sum(msg, col, num_segments=n)
    return out + b


def setup_inputs(seed: int = 0) -> dict:
    key = jax.random.key(seed)
    k1, k2, k3, k4 = jax.random.split(key, 4)
    x = jax.random.normal(k1, (N, D), dtype=jnp.float32)
    edge_index = jax.random.randint(k2, (2, E), 0, N, dtype=jnp.int32)
    W1 = jax.random.normal(k3, (D, H), dtype=jnp.float32) * 0.05
    b1 = jnp.zeros((H,), dtype=jnp.float32)
    W2 = jax.random.normal(k4, (H, C), dtype=jnp.float32) * 0.05
    b2 = jnp.zeros((C,), dtype=jnp.float32)
    return {"x": x, "edge_index": edge_index, "W1": W1, "b1": b1, "W2": W2, "b2": b2}


def reference(x, edge_index, W1, b1, W2, b2):
    # layer 1: GCNConv(128 -> 128) + ReLU (dropout p=0.0 / eval mode => no-op)
    h = gcn_conv(x, edge_index, W1, b1)
    h = jax.nn.relu(h)
    hidden_representation = h
    # output layer: GCNConv(128 -> 40)
    logits = gcn_conv(h, edge_index, W2, b2)
    return (logits, hidden_representation)

if __name__ == "__main__":
    import jax
    _d = setup_inputs()
    print(jax.jit(kernel)(*tuple(_d.values())))

</pallas_src>

<mosaic_0001>
#map = affine_map<(d0, d1) -> (0, 0)>
#map1 = affine_map<(d0, d1) -> (0, 0, 0)>
module attributes {stable_mosaic.version = 14 : i64} {
  func.func @_agg(%arg0: i32, %arg1: i32, %arg2: memref<10000x128xf32, #tpu.memory_space<hbm>>, %arg3: memref<32x79x128xi32, #tpu.memory_space<hbm>>, %arg4: memref<32x79x128xi32, #tpu.memory_space<hbm>>, %arg5: memref<2x10240x128xf32, #tpu.memory_space<hbm>>, %arg6: memref<79x128xi32, #tpu.memory_space<vmem>>, %arg7: memref<79x128xi32, #tpu.memory_space<vmem>>, %arg8: memref<128x128xf32, #tpu.memory_space<vmem>>, %arg9: memref<10240x128xf32, #tpu.memory_space<vmem_shared>>, %arg10: memref<!tpu.dma_semaphore, #tpu.memory_space<semaphore_mem>>) attributes {dimension_semantics = [#tpu.dimension_semantics<core_parallel>, #tpu.dimension_semantics<subcore_parallel>], iteration_bounds = array<i64: 2, 16>, scalar_prefetch = 0 : i64, scratch_operands = 5 : i64, tpu.core_type = #tpu.core_type<sc_vector_subcore>, window_params = [{transform_indices = #map}, {transform_indices = #map1}, {transform_indices = #map1}, {transform_indices = #map1}]} {
    %mul3A = arith.constant 16 : i32
    %mul3A_0 = arith.muli %arg0, %mul3A : i32
    %add3A = arith.addi %mul3A_0, %arg1 : i32
    %scan3A = arith.constant 0 : i32
    %scan3A_1 = arith.constant 0 : i32
    %scan3A_2 = arith.constant 1024 : i32
    %scan3A_3 = arith.addi %scan3A_1, %scan3A_2 : i32
    %scan3A_4 = arith.constant 1 : i32
    %scan3A_5 = scf.for %scan3A_29 = %scan3A_1 to %scan3A_3 step %scan3A_4 iter_args(%scan3A_30 = %scan3A) -> (i32)  : i32 {
      %broadcast_in_dim3A = arith.constant 0.000000e+00 : f32
      %broadcast_in_dim3A_31 = vector.broadcast %broadcast_in_dim3A : f32 to vector<16xf32>
      %jit3A = arith.constant 8 : i32
      %div3A = arith.divsi %scan3A_29, %jit3A : i32
      %sign3A = arith.constant 0 : i32
      %sign3A_32 = arith.cmpi sgt, %scan3A_29, %sign3A : i32
      %sign3A_33 = arith.extui %sign3A_32 : i1 to i32
      %sign3A_34 = arith.constant 0 : i32
      %sign3A_35 = arith.cmpi slt, %scan3A_29, %sign3A_34 : i32
      %sign3A_36 = arith.extui %sign3A_35 : i1 to i32
      %sign3A_37 = arith.subi %sign3A_33, %sign3A_36 : i32
      %sign3A_38 = arith.constant 0 : i32
      %sign3A_39 = arith.cmpi sgt, %jit3A, %sign3A_38 : i32
      %sign3A_40 = arith.extui %sign3A_39 : i1 to i32
      %sign3A_41 = arith.constant 0 : i32
      %sign3A_42 = arith.cmpi slt, %jit3A, %sign3A_41 : i32
      %sign3A_43 = arith.extui %sign3A_42 : i1 to i32
      %sign3A_44 = arith.subi %sign3A_40, %sign3A_43 : i32
      %ne3A = arith.cmpi ne, %sign3A_37, %sign3A_44 : i32
      %rem3A = arith.remsi %scan3A_29, %jit3A : i32
      %ne3A_45 = arith.constant 0 : i32
      %ne3A_46 = arith.cmpi ne, %rem3A, %ne3A_45 : i32
      %and3A = arith.andi %ne3A, %ne3A_46 : i1
      %sub3A = arith.constant 1 : i32
      %sub3A_47 = arith.subi %div3A, %sub3A : i32
      %select_n3A = arith.select %and3A, %sub3A_47, %div3A : i32
      %jit3A_48 = arith.constant 8 : i32
      %eq3A = arith.constant 0 : i32
      %eq3A_49 = arith.cmpi eq, %jit3A_48, %eq3A : i32
      %jit3A_50 = arith.constant 1 : i32
      %select_n3A_51 = arith.select %eq3A_49, %jit3A_50, %jit3A_48 : i32
      %rem3A_52 = arith.remsi %scan3A_29, %select_n3A_51 : i32
      %ne3A_53 = arith.constant 0 : i32
      %ne3A_54 = arith.cmpi ne, %rem3A_52, %ne3A_53 : i32
      %lt3A = arith.constant 0 : i32
      %lt3A_55 = arith.cmpi slt, %rem3A_52, %lt3A : i32
      %lt3A_56 = arith.constant 0 : i32
      %lt3A_57 = arith.cmpi slt, %select_n3A_51, %lt3A_56 : i32
      %ne3A_58 = arith.xori %lt3A_55, %lt3A_57 : i1
      %and3A_59 = arith.andi %ne3A_58, %ne3A_54 : i1
      %add3A_60 = arith.addi %rem3A_52, %select_n3A_51 : i32
      %select_n3A_61 = arith.select %and3A_59, %add3A_60, %rem3A_52 : i32
      %mul3A_62 = arith.constant 16 : i32
      %mul3A_63 = arith.muli %select_n3A_61, %mul3A_62 : i32
      %swap3A = arith.index_cast %select_n3A : i32 to index
      %swap3A_64 = arith.index_cast %mul3A_63 : i32 to index
      %swap3A_65 = tpu.vector_load %arg8[%swap3A, %swap3A_64] {strides = array<i32>} : memref<128x128xf32, #tpu.memory_space<vmem>>, vector<1x16xf32>,
      %swap3A_66 = vector.shape_cast %swap3A_65 : vector<1x16xf32> to vector<16xf32>
      %swap3A_67 = vector.shape_cast %broadcast_in_dim3A_31 : vector<16xf32> to vector<1x16xf32>
      tpu.vector_store %arg8[%swap3A, %swap3A_64], %swap3A_67 {strides = array<i32>} : memref<128x128xf32, #tpu.memory_space<vmem>>, vector<1x16xf32>,
      %scan3A_68 = arith.constant 0 : i32
      scf.yield %scan3A_68 : i32
    }
    %scan3A_6 = arith.constant 1024 : i32
    %scan3A_7 = arith.constant 0 : i32
    %scan3A_8 = arith.constant 0 : i32
    %scan3A_9 = arith.constant 5 : i32
    %scan3A_10 = arith.addi %scan3A_8, %scan3A_9 : i32
    %scan3A_11 = arith.constant 1 : i32
    %scan3A_12 = scf.for %scan3A_29 = %scan3A_8 to %scan3A_10 step %scan3A_11 iter_args(%scan3A_30 = %scan3A_7) -> (i32)  : i32 {
      %mul3A_31 = arith.constant 640 : i32
      %mul3A_32 = arith.muli %arg1, %mul3A_31 : i32
      %mul3A_33 = arith.constant 128 : i32
      %mul3A_34 = arith.muli %scan3A_29, %mul3A_33 : i32
      %add3A_35 = arith.addi %mul3A_32, %mul3A_34 : i32
      "tpu.region"() ({
        %run_scoped3A = tpu.sem_alloc : memref<!tpu.dma_semaphore, #tpu.memory_space<semaphore_mem>>
        %dma_start3A = arith.constant 0 : i32
        %dma_start3A_37 = tpu.memref_slice %arg9[%add3A_35, %dma_start3A] : memref<10240x128xf32, #tpu.memory_space<vmem_shared>> -> memref<128x128xf32, #tpu.memory_space<vmem_shared>>
        %dma_start3A_38 = arith.constant 0 : i32
        %dma_start3A_39 = tpu.memref_slice %arg9[%add3A_35, %dma_start3A_38] : memref<10240x128xf32, #tpu.memory_space<vmem_shared>> -> memref<128x128xf32, #tpu.memory_space<vmem_shared>>
        tpu.enqueue_dma source(%arg8 : memref<128x128xf32, #tpu.memory_space<vmem>>) target(%dma_start3A_39 : memref<128x128xf32, #tpu.memory_space<vmem_shared>>) target_semaphore(%run_scoped3A : memref<!tpu.dma_semaphore, #tpu.memory_space<semaphore_mem>>)
        %dma_wait3A = arith.constant 0 : i32
        %dma_wait3A_40 = tpu.memref_slice %arg9[%add3A_35, %dma_wait3A] : memref<10240x128xf32, #tpu.memory_space<vmem_shared>> -> memref<128x128xf32, #tpu.memory_space<vmem_shared>>
        %dma_wait3A_41 = arith.constant 0 : i32
        %dma_wait3A_42 = tpu.memref_slice %arg9[%add3A_35, %dma_wait3A_41] : memref<10240x128xf32, #tpu.memory_space<vmem_shared>> -> memref<128x128xf32, #tpu.memory_space<vmem_shared>>
        tpu.wait_dma2 semaphore(%run_scoped3A : memref<!tpu.dma_semaphore, #tpu.memory_space<semaphore_mem>>) src(%arg8 : memref<128x128xf32, #tpu.memory_space<vmem>>) dst(%dma_wait3A_42 : memref<128x128xf32, #tpu.memory_space<vmem_shared>>)
        tpu.yield
      }) : () -> ()
      %scan3A_36 = arith.constant 0 : i32
      scf.yield %scan3A_36 : i32
    }
    %scan3A_13 = arith.constant 5 : i32
    "tpu.region"() ({
      %run_scoped3A = tpu.sem_alloc : memref<!tpu.dma_semaphore, #tpu.memory_space<semaphore_mem>>
      %dma_start3A = arith.constant 0 : i32
      %dma_start3A_29 = arith.constant 0 : i32
      %dma_start3A_30 = tpu.memref_slice %arg3[%add3A, %dma_start3A, %dma_start3A_29] : memref<32x79x128xi32, #tpu.memory_space<hbm>> -> memref<1x79x128xi32, #tpu.memory_space<hbm>>
      %dma_start3A_31 = tpu.memref_squeeze %dma_start3A_30 : memref<1x79x128xi32, #tpu.memory_space<hbm>> -> memref<79x128xi32, #tpu.memory_space<hbm>>
      %dma_start3A_32 = arith.constant 0 : i32
      %dma_start3A_33 = arith.constant 0 : i32
      %dma_start3A_34 = tpu.memref_slice %arg3[%add3A, %dma_start3A_32, %dma_start3A_33] : memref<32x79x128xi32, #tpu.memory_space<hbm>> -> memref<1x79x128xi32, #tpu.memory_space<hbm>>
      %dma_start3A_35 = tpu.memref_squeeze %dma_start3A_34 : memref<1x79x128xi32, #tpu.memory_space<hbm>> -> memref<79x128xi32, #tpu.memory_space<hbm>>
      tpu.enqueue_dma source(%dma_start3A_35 : memref<79x128xi32, #tpu.memory_space<hbm>>) target(%arg6 : memref<79x128xi32, #tpu.memory_space<vmem>>) target_semaphore(%run_scoped3A : memref<!tpu.dma_semaphore, #tpu.memory_space<semaphore_mem>>)
      %dma_wait3A = arith.constant 0 : i32
      %dma_wait3A_36 = arith.constant 0 : i32
      %dma_wait3A_37 = tpu.memref_slice %arg3[%add3A, %dma_wait3A, %dma_wait3A_36] : memref<32x79x128xi32, #tpu.memory_space<hbm>> -> memref<1x79x128xi32, #tpu.memory_space<hbm>>
      %dma_wait3A_38 = tpu.memref_squeeze %dma_wait3A_37 : memref<1x79x128xi32, #tpu.memory_space<hbm>> -> memref<79x128xi32, #tpu.memory_space<hbm>>
      %dma_wait3A_39 = arith.constant 0 : i32
      %dma_wait3A_40 = arith.constant 0 : i32
      %dma_wait3A_41 = tpu.memref_slice %arg3[%add3A, %dma_wait3A_39, %dma_wait3A_40] : memref<32x79x128xi32, #tpu.memory_space<hbm>> -> memref<1x79x128xi32, #tpu.memory_space<hbm>>
      %dma_wait3A_42 = tpu.memref_squeeze %dma_wait3A_41 : memref<1x79x128xi32, #tpu.memory_space<hbm>> -> memref<79x128xi32, #tpu.memory_space<hbm>>
      tpu.wait_dma2 semaphore(%run_scoped3A : memref<!tpu.dma_semaphore, #tpu.memory_space<semaphore_mem>>) src(%dma_wait3A_42 : memref<79x128xi32, #tpu.memory_space<hbm>>) dst(%arg6 : memref<79x128xi32, #tpu.memory_space<vmem>>)
      tpu.yield
    }) : () -> ()
    "tpu.region"() ({
      %run_scoped3A = tpu.sem_alloc : memref<!tpu.dma_semaphore, #tpu.memory_space<semaphore_mem>>
      %dma_start3A = arith.constant 0 : i32
      %dma_start3A_29 = arith.constant 0 : i32
      %dma_start3A_30 = tpu.memref_slice %arg4[%add3A, %dma_start3A, %dma_start3A_29] : memref<32x79x128xi32, #tpu.memory_space<hbm>> -> memref<1x79x128xi32, #tpu.memory_space<hbm>>
      %dma_start3A_31 = tpu.memref_squeeze %dma_start3A_30 : memref<1x79x128xi32, #tpu.memory_space<hbm>> -> memref<79x128xi32, #tpu.memory_space<hbm>>
      %dma_start3A_32 = arith.constant 0 : i32
      %dma_start3A_33 = arith.constant 0 : i32
      %dma_start3A_34 = tpu.memref_slice %arg4[%add3A, %dma_start3A_32, %dma_start3A_33] : memref<32x79x128xi32, #tpu.memory_space<hbm>> -> memref<1x79x128xi32, #tpu.memory_space<hbm>>
      %dma_start3A_35 = tpu.memref_squeeze %dma_start3A_34 : memref<1x79x128xi32, #tpu.memory_space<hbm>> -> memref<79x128xi32, #tpu.memory_space<hbm>>
      tpu.enqueue_dma source(%dma_start3A_35 : memref<79x128xi32, #tpu.memory_space<hbm>>) target(%arg7 : memref<79x128xi32, #tpu.memory_space<vmem>>) target_semaphore(%run_scoped3A : memref<!tpu.dma_semaphore, #tpu.memory_space<semaphore_mem>>)
      %dma_wait3A = arith.constant 0 : i32
      %dma_wait3A_36 = arith.constant 0 : i32
      %dma_wait3A_37 = tpu.memref_slice %arg4[%add3A, %dma_wait3A, %dma_wait3A_36] : memref<32x79x128xi32, #tpu.memory_space<hbm>> -> memref<1x79x128xi32, #tpu.memory_space<hbm>>
      %dma_wait3A_38 = tpu.memref_squeeze %dma_wait3A_37 : memref<1x79x128xi32, #tpu.memory_space<hbm>> -> memref<79x128xi32, #tpu.memory_space<hbm>>
      %dma_wait3A_39 = arith.constant 0 : i32
      %dma_wait3A_40 = arith.constant 0 : i32
      %dma_wait3A_41 = tpu.memref_slice %arg4[%add3A, %dma_wait3A_39, %dma_wait3A_40] : memref<32x79x128xi32, #tpu.memory_space<hbm>> -> memref<1x79x128xi32, #tpu.memory_space<hbm>>
      %dma_wait3A_42 = tpu.memref_squeeze %dma_wait3A_41 : memref<1x79x128xi32, #tpu.memory_space<hbm>> -> memref<79x128xi32, #tpu.memory_space<hbm>>
      tpu.wait_dma2 semaphore(%run_scoped3A : memref<!tpu.dma_semaphore, #tpu.memory_space<semaphore_mem>>) src(%dma_wait3A_42 : memref<79x128xi32, #tpu.memory_space<hbm>>) dst(%arg7 : memref<79x128xi32, #tpu.memory_space<vmem>>)
      tpu.yield
    }) : () -> ()
    %barrier3A = arith.constant 0 : index
    tpu.barrier barrier_id(%barrier3A)
    %scan3A_14 = arith.constant 0 : i32
    %scan3A_15 = arith.constant 0 : i32
    %scan3A_16 = arith.constant 79 : i32
    %scan3A_17 = arith.addi %scan3A_15, %scan3A_16 : i32
    %scan3A_18 = arith.constant 1 : i32
    %scan3A_19 = scf.for %scan3A_29 = %scan3A_15 to %scan3A_17 step %scan3A_18 iter_args(%scan3A_30 = %scan3A_14) -> (i32)  : i32 {
      %dma_start3A = arith.constant 0 : i32
      %dma_start3A_31 = tpu.memref_slice %arg6[%scan3A_29, %dma_start3A] : memref<79x128xi32, #tpu.memory_space<vmem>> -> memref<1x128xi32, #tpu.memory_space<vmem>>
      %dma_start3A_32 = tpu.memref_squeeze %dma_start3A_31 : memref<1x128xi32, #tpu.memory_space<vmem>> -> memref<128xi32, #tpu.memory_space<vmem>>
      %dma_start3A_33 = arith.constant 0 : i32
      %dma_start3A_34 = arith.constant 0 : i32
      %dma_start3A_35 = tpu.memref_slice %arg2[%dma_start3A_33, %dma_start3A_34] : memref<10000x128xf32, #tpu.memory_space<hbm>> -> memref<10000x128xf32, #tpu.memory_space<hbm>>
      tpu.enqueue_indirect_dma source(%dma_start3A_35 : memref<10000x128xf32, #tpu.memory_space<hbm>>) target(%arg8 : memref<128x128xf32, #tpu.memory_space<vmem>>) offsets(%dma_start3A_32 : memref<128xi32, #tpu.memory_space<vmem>>) semaphore(%arg10 : memref<!tpu.dma_semaphore, #tpu.memory_space<semaphore_mem>>)
      %dma_wait3A = arith.constant 0 : i32
      %dma_wait3A_36 = tpu.memref_slice %arg6[%scan3A_29, %dma_wait3A] : memref<79x128xi32, #tpu.memory_space<vmem>> -> memref<1x128xi32, #tpu.memory_space<vmem>>
      %dma_wait3A_37 = tpu.memref_squeeze %dma_wait3A_36 : memref<1x128xi32, #tpu.memory_space<vmem>> -> memref<128xi32, #tpu.memory_space<vmem>>
      %dma_wait3A_38 = arith.constant 0 : i32
      %dma_wait3A_39 = arith.constant 0 : i32
      %dma_wait3A_40 = tpu.memref_slice %arg2[%dma_wait3A_38, %dma_wait3A_39] : memref<10000x128xf32, #tpu.memory_space<hbm>> -> memref<10000x128xf32, #tpu.memory_space<hbm>>
      tpu.wait_indirect_dma semaphore(%arg10 : memref<!tpu.dma_semaphore, #tpu.memory_space<semaphore_mem>>) src(%dma_wait3A_40 : memref<10000x128xf32, #tpu.memory_space<hbm>>) dst(%arg8 : memref<128x128xf32, #tpu.memory_space<vmem>>)
      "tpu.region"() ({
        %run_scoped3A = tpu.sem_alloc : memref<!tpu.dma_semaphore, #tpu.memory_space<semaphore_mem>>
        %dma_start3A_42 = arith.constant 0 : i32
        %dma_start3A_43 = tpu.memref_slice %arg7[%scan3A_29, %dma_start3A_42] : memref<79x128xi32, #tpu.memory_space<vmem>> -> memref<1x128xi32, #tpu.memory_space<vmem>>
        %dma_start3A_44 = tpu.memref_squeeze %dma_start3A_43 : memref<1x128xi32, #tpu.memory_space<vmem>> -> memref<128xi32, #tpu.memory_space<vmem>>
        %dma_start3A_45 = arith.constant 0 : i32
        %dma_start3A_46 = arith.constant 0 : i32
        %dma_start3A_47 = tpu.memref_slice %arg9[%dma_start3A_45, %dma_start3A_46] : memref<10240x128xf32, #tpu.memory_space<vmem_shared>> -> memref<10240x128xf32, #tpu.memory_space<vmem_shared>>
        tpu.enqueue_indirect_dma source(%arg8 : memref<128x128xf32, #tpu.memory_space<vmem>>) target(%dma_start3A_47 : memref<10240x128xf32, #tpu.memory_space<vmem_shared>>) offsets(%dma_start3A_44 : memref<128xi32, #tpu.memory_space<vmem>>) semaphore(%run_scoped3A : memref<!tpu.dma_semaphore, #tpu.memory_space<semaphore_mem>>) {add = true}
        %dma_wait3A_48 = arith.constant 0 : i32
        %dma_wait3A_49 = tpu.memref_slice %arg7[%scan3A_29, %dma_wait3A_48] : memref<79x128xi32, #tpu.memory_space<vmem>> -> memref<1x128xi32, #tpu.memory_space<vmem>>
        %dma_wait3A_50 = tpu.memref_squeeze %dma_wait3A_49 : memref<1x128xi32, #tpu.memory_space<vmem>> -> memref<128xi32, #tpu.memory_space<vmem>>
        %dma_wait3A_51 = arith.constant 0 : i32
        %dma_wait3A_52 = arith.constant 0 : i32
        %dma_wait3A_53 = tpu.memref_slice %arg9[%dma_wait3A_51, %dma_wait3A_52] : memref<10240x128xf32, #tpu.memory_space<vmem_shared>> -> memref<10240x128xf32, #tpu.memory_space<vmem_shared>>
        tpu.wait_indirect_dma semaphore(%run_scoped3A : memref<!tpu.dma_semaphore, #tpu.memory_space<semaphore_mem>>) src(%arg8 : memref<128x128xf32, #tpu.memory_space<vmem>>) dst(%dma_wait3A_53 : memref<10240x128xf32, #tpu.memory_space<vmem_shared>>)
        tpu.yield
      }) : () -> ()
      %scan3A_41 = arith.constant 0 : i32
      scf.yield %scan3A_41 : i32
    }
    %scan3A_20 = arith.constant 79 : i32
    %barrier3A_21 = arith.constant 0 : index
    tpu.barrier barrier_id(%barrier3A_21)
    %scan3A_22 = arith.constant 0 : i32
    %scan3A_23 = arith.constant 0 : i32
    %scan3A_24 = arith.constant 5 : i32
    %scan3A_25 = arith.addi %scan3A_23, %scan3A_24 : i32
    %scan3A_26 = arith.constant 1 : i32
    %scan3A_27 = scf.for %scan3A_29 = %scan3A_23 to %scan3A_25 step %scan3A_26 iter_args(%scan3A_30 = %scan3A_22) -> (i32)  : i32 {
      %mul3A_31 = arith.constant 640 : i32
      %mul3A_32 = arith.muli %arg1, %mul3A_31 : i32
      %mul3A_33 = arith.constant 128 : i32
      %mul3A_34 = arith.muli %scan3A_29, %mul3A_33 : i32
      %add3A_35 = arith.addi %mul3A_32, %mul3A_34 : i32
      %mul3A_36 = arith.constant 640 : i32
      %mul3A_37 = arith.muli %arg1, %mul3A_36 : i32
      %mul3A_38 = arith.constant 128 : i32
      %mul3A_39 = arith.muli %scan3A_29, %mul3A_38 : i32
      %add3A_40 = arith.addi %mul3A_37, %mul3A_39 : i32
      "tpu.region"() ({
        %run_scoped3A = tpu.sem_alloc : memref<!tpu.dma_semaphore, #tpu.memory_space<semaphore_mem>>
        %dma_start3A = arith.constant 0 : i32
        %dma_start3A_42 = tpu.memref_slice %arg5[%arg0, %add3A_40, %dma_start3A] : memref<2x10240x128xf32, #tpu.memory_space<hbm>> -> memref<1x128x128xf32, #tpu.memory_space<hbm>>
        %dma_start3A_43 = tpu.memref_squeeze %dma_start3A_42 : memref<1x128x128xf32, #tpu.memory_space<hbm>> -> memref<128x128xf32, #tpu.memory_space<hbm>>
        %dma_start3A_44 = arith.constant 0 : i32
        %dma_start3A_45 = tpu.memref_slice %arg9[%add3A_35, %dma_start3A_44] : memref<10240x128xf32, #tpu.memory_space<vmem_shared>> -> memref<128x128xf32, #tpu.memory_space<vmem_shared>>
        tpu.enqueue_dma source(%dma_start3A_45 : memref<128x128xf32, #tpu.memory_space<vmem_shared>>) target(%dma_start3A_43 : memref<128x128xf32, #tpu.memory_space<hbm>>) target_semaphore(%run_scoped3A : memref<!tpu.dma_semaphore, #tpu.memory_space<semaphore_mem>>)
        %dma_wait3A = arith.constant 0 : i32
        %dma_wait3A_46 = tpu.memref_slice %arg5[%arg0, %add3A_40, %dma_wait3A] : memref<2x10240x128xf32, #tpu.memory_space<hbm>> -> memref<1x128x128xf32, #tpu.memory_space<hbm>>
        %dma_wait3A_47 = tpu.memref_squeeze %dma_wait3A_46 : memref<1x128x128xf32, #tpu.memory_space<hbm>> -> memref<128x128xf32, #tpu.memory_space<hbm>>
        %dma_wait3A_48 = arith.constant 0 : i32
        %dma_wait3A_49 = tpu.memref_slice %arg9[%add3A_35, %dma_wait3A_48] : memref<10240x128xf32, #tpu.memory_space<vmem_shared>> -> memref<128x128xf32, #tpu.memory_space<vmem_shared>>
        tpu.wait_dma2 semaphore(%run_scoped3A : memref<!tpu.dma_semaphore, #tpu.memory_space<semaphore_mem>>) src(%dma_wait3A_49 : memref<128x128xf32, #tpu.memory_space<vmem_shared>>) dst(%dma_wait3A_47 : memref<128x128xf32, #tpu.memory_space<hbm>>)
        tpu.yield
      }) : () -> ()
      %scan3A_41 = arith.constant 0 : i32
      scf.yield %scan3A_41 : i32
    }
    %scan3A_28 = arith.constant 5 : i32
    return
  }
}

#map = affine_map<(d0, d1) -> (0, 0, 0)>
module attributes {stable_mosaic.version = 14 : i64} {
  func.func @_hist_kernel(%arg0: i32, %arg1: i32, %arg2: memref<32x79x128xi32, #tpu.memory_space<hbm>>, %arg3: memref<2x10240x16xf32, #tpu.memory_space<hbm>>, %arg4: memref<79x128xi32, #tpu.memory_space<vmem>>, %arg5: memref<128x16xf32, #tpu.memory_space<vmem>>, %arg6: memref<128x16xf32, #tpu.memory_space<vmem>>, %arg7: memref<10240x16xf32, #tpu.memory_space<vmem_shared>>) attributes {dimension_semantics = [#tpu.dimension_semantics<core_parallel>, #tpu.dimension_semantics<subcore_parallel>], iteration_bounds = array<i64: 2, 16>, scalar_prefetch = 0 : i64, scratch_operands = 4 : i64, tpu.core_type = #tpu.core_type<sc_vector_subcore>, window_params = [{transform_indices = #map}, {transform_indices = #map}]} {
    %mul3A = arith.constant 16 : i32
    %mul3A_0 = arith.muli %arg0, %mul3A : i32
    %add3A = arith.addi %mul3A_0, %arg1 : i32
    %scan3A = arith.constant 0 : i32
    %scan3A_1 = arith.constant 0 : i32
    %scan3A_2 = arith.constant 128 : i32
    %scan3A_3 = arith.addi %scan3A_1, %scan3A_2 : i32
    %scan3A_4 = arith.constant 1 : i32
    %scan3A_5 = scf.for %scan3A_29 = %scan3A_1 to %scan3A_3 step %scan3A_4 iter_args(%scan3A_30 = %scan3A) -> (i32)  : i32 {
      %broadcast_in_dim3A = arith.constant 1.000000e+00 : f32
      %broadcast_in_dim3A_31 = vector.broadcast %broadcast_in_dim3A : f32 to vector<16xf32>
      %swap3A = arith.index_cast %scan3A_29 : i32 to index
      %swap3A_32 = arith.constant 0 : index
      %swap3A_33 = tpu.vector_load %arg5[%swap3A, %swap3A_32] {strides = array<i32>} : memref<128x16xf32, #tpu.memory_space<vmem>>, vector<1x16xf32>,
      %swap3A_34 = vector.shape_cast %swap3A_33 : vector<1x16xf32> to vector<16xf32>
      %swap3A_35 = vector.shape_cast %broadcast_in_dim3A_31 : vector<16xf32> to vector<1x16xf32>
      tpu.vector_store %arg5[%swap3A, %swap3A_32], %swap3A_35 {strides = array<i32>} : memref<128x16xf32, #tpu.memory_space<vmem>>, vector<1x16xf32>,
      %broadcast_in_dim3A_36 = arith.constant 0.000000e+00 : f32
      %broadcast_in_dim3A_37 = vector.broadcast %broadcast_in_dim3A_36 : f32 to vector<16xf32>
      %swap3A_38 = arith.index_cast %scan3A_29 : i32 to index
      %swap3A_39 = arith.constant 0 : index
      %swap3A_40 = tpu.vector_load %arg6[%swap3A_38, %swap3A_39] {strides = array<i32>} : memref<128x16xf32, #tpu.memory_space<vmem>>, vector<1x16xf32>,
      %swap3A_41 = vector.shape_cast %swap3A_40 : vector<1x16xf32> to vector<16xf32>
      %swap3A_42 = vector.shape_cast %broadcast_in_dim3A_37 : vector<16xf32> to vector<1x16xf32>
      tpu.vector_store %arg6[%swap3A_38, %swap3A_39], %swap3A_42 {strides = array<i32>} : memref<128x16xf32, #tpu.memory_space<vmem>>, vector<1x16xf32>,
      %scan3A_43 = arith.constant 0 : i32
      scf.yield %scan3A_43 : i32
    }
    %scan3A_6 = arith.constant 128 : i32
    %scan3A_7 = arith.constant 0 : i32
    %scan3A_8 = arith.constant 0 : i32
    %scan3A_9 = arith.constant 5 : i32
    %scan3A_10 = arith.addi %scan3A_8, %scan3A_9 : i32
    %scan3A_11 = arith.constant 1 : i32
    %scan3A_12 = scf.for %scan3A_29 = %scan3A_8 to %scan3A_10 step %scan3A_11 iter_args(%scan3A_30 = %scan3A_7) -> (i32)  : i32 {
      %mul3A_31 = arith.constant 640 : i32
      %mul3A_32 = arith.muli %arg1, %mul3A_31 : i32
      %mul3A_33 = arith.constant 128 : i32
      %mul3A_34 = arith.muli %scan3A_29, %mul3A_33 : i32
      %add3A_35 = arith.addi %mul3A_32, %mul3A_34 : i32
      "tpu.region"() ({
        %run_scoped3A = tpu.sem_alloc : memref<!tpu.dma_semaphore, #tpu.memory_space<semaphore_mem>>
        %dma_start3A = arith.constant 0 : i32
        %dma_start3A_37 = tpu.memref_slice %arg7[%add3A_35, %dma_start3A] : memref<10240x16xf32, #tpu.memory_space<vmem_shared>> -> memref<128x16xf32, #tpu.memory_space<vmem_shared>>
        %dma_start3A_38 = arith.constant 0 : i32
        %dma_start3A_39 = tpu.memref_slice %arg7[%add3A_35, %dma_start3A_38] : memref<10240x16xf32, #tpu.memory_space<vmem_shared>> -> memref<128x16xf32, #tpu.memory_space<vmem_shared>>
        tpu.enqueue_dma source(%arg6 : memref<128x16xf32, #tpu.memory_space<vmem>>) target(%dma_start3A_39 : memref<128x16xf32, #tpu.memory_space<vmem_shared>>) target_semaphore(%run_scoped3A : memref<!tpu.dma_semaphore, #tpu.memory_space<semaphore_mem>>)
        %dma_wait3A = arith.constant 0 : i32
        %dma_wait3A_40 = tpu.memref_slice %arg7[%add3A_35, %dma_wait3A] : memref<10240x16xf32, #tpu.memory_space<vmem_shared>> -> memref<128x16xf32, #tpu.memory_space<vmem_shared>>
        %dma_wait3A_41 = arith.constant 0 : i32
        %dma_wait3A_42 = tpu.memref_slice %arg7[%add3A_35, %dma_wait3A_41] : memref<10240x16xf32, #tpu.memory_space<vmem_shared>> -> memref<128x16xf32, #tpu.memory_space<vmem_shared>>
        tpu.wait_dma2 semaphore(%run_scoped3A : memref<!tpu.dma_semaphore, #tpu.memory_space<semaphore_mem>>) src(%arg6 : memref<128x16xf32, #tpu.memory_space<vmem>>) dst(%dma_wait3A_42 : memref<128x16xf32, #tpu.memory_space<vmem_shared>>)
        tpu.yield
      }) : () -> ()
      %scan3A_36 = arith.constant 0 : i32
      scf.yield %scan3A_36 : i32
    }
    %scan3A_13 = arith.constant 5 : i32
    "tpu.region"() ({
      %run_scoped3A = tpu.sem_alloc : memref<!tpu.dma_semaphore, #tpu.memory_space<semaphore_mem>>
      %dma_start3A = arith.constant 0 : i32
      %dma_start3A_29 = arith.constant 0 : i32
      %dma_start3A_30 = tpu.memref_slice %arg2[%add3A, %dma_start3A, %dma_start3A_29] : memref<32x79x128xi32, #tpu.memory_space<hbm>> -> memref<1x79x128xi32, #tpu.memory_space<hbm>>
      %dma_start3A_31 = tpu.memref_squeeze %dma_start3A_30 : memref<1x79x128xi32, #tpu.memory_space<hbm>> -> memref<79x128xi32, #tpu.memory_space<hbm>>
      %dma_start3A_32 = arith.constant 0 : i32
      %dma_start3A_33 = arith.constant 0 : i32
      %dma_start3A_34 = tpu.memref_slice %arg2[%add3A, %dma_start3A_32, %dma_start3A_33] : memref<32x79x128xi32, #tpu.memory_space<hbm>> -> memref<1x79x128xi32, #tpu.memory_space<hbm>>
      %dma_start3A_35 = tpu.memref_squeeze %dma_start3A_34 : memref<1x79x128xi32, #tpu.memory_space<hbm>> -> memref<79x128xi32, #tpu.memory_space<hbm>>
      tpu.enqueue_dma source(%dma_start3A_35 : memref<79x128xi32, #tpu.memory_space<hbm>>) target(%arg4 : memref<79x128xi32, #tpu.memory_space<vmem>>) target_semaphore(%run_scoped3A : memref<!tpu.dma_semaphore, #tpu.memory_space<semaphore_mem>>)
      %dma_wait3A = arith.constant 0 : i32
      %dma_wait3A_36 = arith.constant 0 : i32
      %dma_wait3A_37 = tpu.memref_slice %arg2[%add3A, %dma_wait3A, %dma_wait3A_36] : memref<32x79x128xi32, #tpu.memory_space<hbm>> -> memref<1x79x128xi32, #tpu.memory_space<hbm>>
      %dma_wait3A_38 = tpu.memref_squeeze %dma_wait3A_37 : memref<1x79x128xi32, #tpu.memory_space<hbm>> -> memref<79x128xi32, #tpu.memory_space<hbm>>
      %dma_wait3A_39 = arith.constant 0 : i32
      %dma_wait3A_40 = arith.constant 0 : i32
      %dma_wait3A_41 = tpu.memref_slice %arg2[%add3A, %dma_wait3A_39, %dma_wait3A_40] : memref<32x79x128xi32, #tpu.memory_space<hbm>> -> memref<1x79x128xi32, #tpu.memory_space<hbm>>
      %dma_wait3A_42 = tpu.memref_squeeze %dma_wait3A_41 : memref<1x79x128xi32, #tpu.memory_space<hbm>> -> memref<79x128xi32, #tpu.memory_space<hbm>>
      tpu.wait_dma2 semaphore(%run_scoped3A : memref<!tpu.dma_semaphore, #tpu.memory_space<semaphore_mem>>) src(%dma_wait3A_42 : memref<79x128xi32, #tpu.memory_space<hbm>>) dst(%arg4 : memref<79x128xi32, #tpu.memory_space<vmem>>)
      tpu.yield
    }) : () -> ()
    %barrier3A = arith.constant 0 : index
    tpu.barrier barrier_id(%barrier3A)
    %scan3A_14 = arith.constant 0 : i32
    %scan3A_15 = arith.constant 0 : i32
    %scan3A_16 = arith.constant 79 : i32
    %scan3A_17 = arith.addi %scan3A_15, %scan3A_16 : i32
    %scan3A_18 = arith.constant 1 : i32
    %scan3A_19 = scf.for %scan3A_29 = %scan3A_15 to %scan3A_17 step %scan3A_18 iter_args(%scan3A_30 = %scan3A_14) -> (i32)  : i32 {
      "tpu.region"() ({
        %run_scoped3A = tpu.sem_alloc : memref<!tpu.dma_semaphore, #tpu.memory_space<semaphore_mem>>
        %dma_start3A = arith.constant 0 : i32
        %dma_start3A_32 = tpu.memref_slice %arg4[%scan3A_29, %dma_start3A] : memref<79x128xi32, #tpu.memory_space<vmem>> -> memref<1x128xi32, #tpu.memory_space<vmem>>
        %dma_start3A_33 = tpu.memref_squeeze %dma_start3A_32 : memref<1x128xi32, #tpu.memory_space<vmem>> -> memref<128xi32, #tpu.memory_space<vmem>>
        %dma_start3A_34 = arith.constant 0 : i32
        %dma_start3A_35 = arith.constant 0 : i32
        %dma_start3A_36 = tpu.memref_slice %arg7[%dma_start3A_34, %dma_start3A_35] : memref<10240x16xf32, #tpu.memory_space<vmem_shared>> -> memref<10240x16xf32, #tpu.memory_space<vmem_shared>>
        tpu.enqueue_indirect_dma source(%arg5 : memref<128x16xf32, #tpu.memory_space<vmem>>) target(%dma_start3A_36 : memref<10240x16xf32, #tpu.memory_space<vmem_shared>>) offsets(%dma_start3A_33 : memref<128xi32, #tpu.memory_space<vmem>>) semaphore(%run_scoped3A : memref<!tpu.dma_semaphore, #tpu.memory_space<semaphore_mem>>) {add = true}
        %dma_wait3A = arith.constant 0 : i32
        %dma_wait3A_37 = tpu.memref_slice %arg4[%scan3A_29, %dma_wait3A] : memref<79x128xi32, #tpu.memory_space<vmem>> -> memref<1x128xi32, #tpu.memory_space<vmem>>
        %dma_wait3A_38 = tpu.memref_squeeze %dma_wait3A_37 : memref<1x128xi32, #tpu.memory_space<vmem>> -> memref<128xi32, #tpu.memory_space<vmem>>
        %dma_wait3A_39 = arith.constant 0 : i32
        %dma_wait3A_40 = arith.constant 0 : i32
        %dma_wait3A_41 = tpu.memref_slice %arg7[%dma_wait3A_39, %dma_wait3A_40] : memref<10240x16xf32, #tpu.memory_space<vmem_shared>> -> memref<10240x16xf32, #tpu.memory_space<vmem_shared>>
        tpu.wait_indirect_dma semaphore(%run_scoped3A : memref<!tpu.dma_semaphore, #tpu.memory_space<semaphore_mem>>) src(%arg5 : memref<128x16xf32, #tpu.memory_space<vmem>>) dst(%dma_wait3A_41 : memref<10240x16xf32, #tpu.memory_space<vmem_shared>>)
        tpu.yield
      }) : () -> ()
      %scan3A_31 = arith.constant 0 : i32
      scf.yield %scan3A_31 : i32
    }
    %scan3A_20 = arith.constant 79 : i32
    %barrier3A_21 = arith.constant 0 : index
    tpu.barrier barrier_id(%barrier3A_21)
    %scan3A_22 = arith.constant 0 : i32
    %scan3A_23 = arith.constant 0 : i32
    %scan3A_24 = arith.constant 5 : i32
    %scan3A_25 = arith.addi %scan3A_23, %scan3A_24 : i32
    %scan3A_26 = arith.constant 1 : i32
    %scan3A_27 = scf.for %scan3A_29 = %scan3A_23 to %scan3A_25 step %scan3A_26 iter_args(%scan3A_30 = %scan3A_22) -> (i32)  : i32 {
      %mul3A_31 = arith.constant 640 : i32
      %mul3A_32 = arith.muli %arg1, %mul3A_31 : i32
      %mul3A_33 = arith.constant 128 : i32
      %mul3A_34 = arith.muli %scan3A_29, %mul3A_33 : i32
      %add3A_35 = arith.addi %mul3A_32, %mul3A_34 : i32
      %mul3A_36 = arith.constant 640 : i32
      %mul3A_37 = arith.muli %arg1, %mul3A_36 : i32
      %mul3A_38 = arith.constant 128 : i32
      %mul3A_39 = arith.muli %scan3A_29, %mul3A_38 : i32
      %add3A_40 = arith.addi %mul3A_37, %mul3A_39 : i32
      "tpu.region"() ({
        %run_scoped3A = tpu.sem_alloc : memref<!tpu.dma_semaphore, #tpu.memory_space<semaphore_mem>>
        %dma_start3A = arith.constant 0 : i32
        %dma_start3A_42 = tpu.memref_slice %arg3[%arg0, %add3A_40, %dma_start3A] : memref<2x10240x16xf32, #tpu.memory_space<hbm>> -> memref<1x128x16xf32, #tpu.memory_space<hbm>>
        %dma_start3A_43 = tpu.memref_squeeze %dma_start3A_42 : memref<1x128x16xf32, #tpu.memory_space<hbm>> -> memref<128x16xf32, #tpu.memory_space<hbm>>
        %dma_start3A_44 = arith.constant 0 : i32
        %dma_start3A_45 = tpu.memref_slice %arg7[%add3A_35, %dma_start3A_44] : memref<10240x16xf32, #tpu.memory_space<vmem_shared>> -> memref<128x16xf32, #tpu.memory_space<vmem_shared>>
        tpu.enqueue_dma source(%dma_start3A_45 : memref<128x16xf32, #tpu.memory_space<vmem_shared>>) target(%dma_start3A_43 : memref<128x16xf32, #tpu.memory_space<hbm>>) target_semaphore(%run_scoped3A : memref<!tpu.dma_semaphore, #tpu.memory_space<semaphore_mem>>)
        %dma_wait3A = arith.constant 0 : i32
        %dma_wait3A_46 = tpu.memref_slice %arg3[%arg0, %add3A_40, %dma_wait3A] : memref<2x10240x16xf32, #tpu.memory_space<hbm>> -> memref<1x128x16xf32, #tpu.memory_space<hbm>>
        %dma_wait3A_47 = tpu.memref_squeeze %dma_wait3A_46 : memref<1x128x16xf32, #tpu.memory_space<hbm>> -> memref<128x16xf32, #tpu.memory_space<hbm>>
        %dma_wait3A_48 = arith.constant 0 : i32
        %dma_wait3A_49 = tpu.memref_slice %arg7[%add3A_35, %dma_wait3A_48] : memref<10240x16xf32, #tpu.memory_space<vmem_shared>> -> memref<128x16xf32, #tpu.memory_space<vmem_shared>>
        tpu.wait_dma2 semaphore(%run_scoped3A : memref<!tpu.dma_semaphore, #tpu.memory_space<semaphore_mem>>) src(%dma_wait3A_49 : memref<128x16xf32, #tpu.memory_space<vmem_shared>>) dst(%dma_wait3A_47 : memref<128x16xf32, #tpu.memory_space<hbm>>)
        tpu.yield
      }) : () -> ()
      %scan3A_41 = arith.constant 0 : i32
      scf.yield %scan3A_41 : i32
    }
    %scan3A_28 = arith.constant 5 : i32
    return
  }
}

#map = affine_map<(d0, d1) -> (0, 0)>
#map1 = affine_map<(d0, d1) -> (0, 0, 0)>
module attributes {stable_mosaic.version = 14 : i64} {
  func.func @_agg(%arg0: i32, %arg1: i32, %arg2: memref<10000x128xf32, #tpu.memory_space<hbm>>, %arg3: memref<32x79x128xi32, #tpu.memory_space<hbm>>, %arg4: memref<32x79x128xi32, #tpu.memory_space<hbm>>, %arg5: memref<2x10240x128xf32, #tpu.memory_space<hbm>>, %arg6: memref<79x128xi32, #tpu.memory_space<vmem>>, %arg7: memref<79x128xi32, #tpu.memory_space<vmem>>, %arg8: memref<128x128xf32, #tpu.memory_space<vmem>>, %arg9: memref<10240x128xf32, #tpu.memory_space<vmem_shared>>, %arg10: memref<!tpu.dma_semaphore, #tpu.memory_space<semaphore_mem>>) attributes {dimension_semantics = [#tpu.dimension_semantics<core_parallel>, #tpu.dimension_semantics<subcore_parallel>], iteration_bounds = array<i64: 2, 16>, scalar_prefetch = 0 : i64, scratch_operands = 5 : i64, tpu.core_type = #tpu.core_type<sc_vector_subcore>, window_params = [{transform_indices = #map}, {transform_indices = #map1}, {transform_indices = #map1}, {transform_indices = #map1}]} {
    %mul3A = arith.constant 16 : i32
    %mul3A_0 = arith.muli %arg0, %mul3A : i32
    %add3A = arith.addi %mul3A_0, %arg1 : i32
    %scan3A = arith.constant 0 : i32
    %scan3A_1 = arith.constant 0 : i32
    %scan3A_2 = arith.constant 1024 : i32
    %scan3A_3 = arith.addi %scan3A_1, %scan3A_2 : i32
    %scan3A_4 = arith.constant 1 : i32
    %scan3A_5 = scf.for %scan3A_29 = %scan3A_1 to %scan3A_3 step %scan3A_4 iter_args(%scan3A_30 = %scan3A) -> (i32)  : i32 {
      %broadcast_in_dim3A = arith.constant 0.000000e+00 : f32
      %broadcast_in_dim3A_31 = vector.broadcast %broadcast_in_dim3A : f32 to vector<16xf32>
      %jit3A = arith.constant 8 : i32
      %div3A = arith.divsi %scan3A_29, %jit3A : i32
      %sign3A = arith.constant 0 : i32
      %sign3A_32 = arith.cmpi sgt, %scan3A_29, %sign3A : i32
      %sign3A_33 = arith.extui %sign3A_32 : i1 to i32
      %sign3A_34 = arith.constant 0 : i32
      %sign3A_35 = arith.cmpi slt, %scan3A_29, %sign3A_34 : i32
      %sign3A_36 = arith.extui %sign3A_35 : i1 to i32
      %sign3A_37 = arith.subi %sign3A_33, %sign3A_36 : i32
      %sign3A_38 = arith.constant 0 : i32
      %sign3A_39 = arith.cmpi sgt, %jit3A, %sign3A_38 : i32
      %sign3A_40 = arith.extui %sign3A_39 : i1 to i32
      %sign3A_41 = arith.constant 0 : i32
      %sign3A_42 = arith.cmpi slt, %jit3A, %sign3A_41 : i32
      %sign3A_43 = arith.extui %sign3A_42 : i1 to i32
      %sign3A_44 = arith.subi %sign3A_40, %sign3A_43 : i32
      %ne3A = arith.cmpi ne, %sign3A_37, %sign3A_44 : i32
      %rem3A = arith.remsi %scan3A_29, %jit3A : i32
      %ne3A_45 = arith.constant 0 : i32
      %ne3A_46 = arith.cmpi ne, %rem3A, %ne3A_45 : i32
      %and3A = arith.andi %ne3A, %ne3A_46 : i1
      %sub3A = arith.constant 1 : i32
      %sub3A_47 = arith.subi %div3A, %sub3A : i32
      %select_n3A = arith.select %and3A, %sub3A_47, %div3A : i32
      %jit3A_48 = arith.constant 8 : i32
      %eq3A = arith.constant 0 : i32
      %eq3A_49 = arith.cmpi eq, %jit3A_48, %eq3A : i32
      %jit3A_50 = arith.constant 1 : i32
      %select_n3A_51 = arith.select %eq3A_49, %jit3A_50, %jit3A_48 : i32
      %rem3A_52 = arith.remsi %scan3A_29, %select_n3A_51 : i32
      %ne3A_53 = arith.constant 0 : i32
      %ne3A_54 = arith.cmpi ne, %rem3A_52, %ne3A_53 : i32
      %lt3A = arith.constant 0 : i32
      %lt3A_55 = arith.cmpi slt, %rem3A_52, %lt3A : i32
      %lt3A_56 = arith.constant 0 : i32
      %lt3A_57 = arith.cmpi slt, %select_n3A_51, %lt3A_56 : i32
      %ne3A_58 = arith.xori %lt3A_55, %lt3A_57 : i1
      %and3A_59 = arith.andi %ne3A_58, %ne3A_54 : i1
      %add3A_60 = arith.addi %rem3A_52, %select_n3A_51 : i32
      %select_n3A_61 = arith.select %and3A_59, %add3A_60, %rem3A_52 : i32
      %mul3A_62 = arith.constant 16 : i32
      %mul3A_63 = arith.muli %select_n3A_61, %mul3A_62 : i32
      %swap3A = arith.index_cast %select_n3A : i32 to index
      %swap3A_64 = arith.index_cast %mul3A_63 : i32 to index
      %swap3A_65 = tpu.vector_load %arg8[%swap3A, %swap3A_64] {strides = array<i32>} : memref<128x128xf32, #tpu.memory_space<vmem>>, vector<1x16xf32>,
      %swap3A_66 = vector.shape_cast %swap3A_65 : vector<1x16xf32> to vector<16xf32>
      %swap3A_67 = vector.shape_cast %broadcast_in_dim3A_31 : vector<16xf32> to vector<1x16xf32>
      tpu.vector_store %arg8[%swap3A, %swap3A_64], %swap3A_67 {strides = array<i32>} : memref<128x128xf32, #tpu.memory_space<vmem>>, vector<1x16xf32>,
      %scan3A_68 = arith.constant 0 : i32
      scf.yield %scan3A_68 : i32
    }
    %scan3A_6 = arith.constant 1024 : i32
    %scan3A_7 = arith.constant 0 : i32
    %scan3A_8 = arith.constant 0 : i32
    %scan3A_9 = arith.constant 5 : i32
    %scan3A_10 = arith.addi %scan3A_8, %scan3A_9 : i32
    %scan3A_11 = arith.constant 1 : i32
    %scan3A_12 = scf.for %scan3A_29 = %scan3A_8 to %scan3A_10 step %scan3A_11 iter_args(%scan3A_30 = %scan3A_7) -> (i32)  : i32 {
      %mul3A_31 = arith.constant 640 : i32
      %mul3A_32 = arith.muli %arg1, %mul3A_31 : i32
      %mul3A_33 = arith.constant 128 : i32
      %mul3A_34 = arith.muli %scan3A_29, %mul3A_33 : i32
      %add3A_35 = arith.addi %mul3A_32, %mul3A_34 : i32
      "tpu.region"() ({
        %run_scoped3A = tpu.sem_alloc : memref<!tpu.dma_semaphore, #tpu.memory_space<semaphore_mem>>
        %dma_start3A = arith.constant 0 : i32
        %dma_start3A_37 = tpu.memref_slice %arg9[%add3A_35, %dma_start3A] : memref<10240x128xf32, #tpu.memory_space<vmem_shared>> -> memref<128x128xf32, #tpu.memory_space<vmem_shared>>
        %dma_start3A_38 = arith.constant 0 : i32
        %dma_start3A_39 = tpu.memref_slice %arg9[%add3A_35, %dma_start3A_38] : memref<10240x128xf32, #tpu.memory_space<vmem_shared>> -> memref<128x128xf32, #tpu.memory_space<vmem_shared>>
        tpu.enqueue_dma source(%arg8 : memref<128x128xf32, #tpu.memory_space<vmem>>) target(%dma_start3A_39 : memref<128x128xf32, #tpu.memory_space<vmem_shared>>) target_semaphore(%run_scoped3A : memref<!tpu.dma_semaphore, #tpu.memory_space<semaphore_mem>>)
        %dma_wait3A = arith.constant 0 : i32
        %dma_wait3A_40 = tpu.memref_slice %arg9[%add3A_35, %dma_wait3A] : memref<10240x128xf32, #tpu.memory_space<vmem_shared>> -> memref<128x128xf32, #tpu.memory_space<vmem_shared>>
        %dma_wait3A_41 = arith.constant 0 : i32
        %dma_wait3A_42 = tpu.memref_slice %arg9[%add3A_35, %dma_wait3A_41] : memref<10240x128xf32, #tpu.memory_space<vmem_shared>> -> memref<128x128xf32, #tpu.memory_space<vmem_shared>>
        tpu.wait_dma2 semaphore(%run_scoped3A : memref<!tpu.dma_semaphore, #tpu.memory_space<semaphore_mem>>) src(%arg8 : memref<128x128xf32, #tpu.memory_space<vmem>>) dst(%dma_wait3A_42 : memref<128x128xf32, #tpu.memory_space<vmem_shared>>)
        tpu.yield
      }) : () -> ()
      %scan3A_36 = arith.constant 0 : i32
      scf.yield %scan3A_36 : i32
    }
    %scan3A_13 = arith.constant 5 : i32
    "tpu.region"() ({
      %run_scoped3A = tpu.sem_alloc : memref<!tpu.dma_semaphore, #tpu.memory_space<semaphore_mem>>
      %dma_start3A = arith.constant 0 : i32
      %dma_start3A_29 = arith.constant 0 : i32
      %dma_start3A_30 = tpu.memref_slice %arg3[%add3A, %dma_start3A, %dma_start3A_29] : memref<32x79x128xi32, #tpu.memory_space<hbm>> -> memref<1x79x128xi32, #tpu.memory_space<hbm>>
      %dma_start3A_31 = tpu.memref_squeeze %dma_start3A_30 : memref<1x79x128xi32, #tpu.memory_space<hbm>> -> memref<79x128xi32, #tpu.memory_space<hbm>>
      %dma_start3A_32 = arith.constant 0 : i32
      %dma_start3A_33 = arith.constant 0 : i32
      %dma_start3A_34 = tpu.memref_slice %arg3[%add3A, %dma_start3A_32, %dma_start3A_33] : memref<32x79x128xi32, #tpu.memory_space<hbm>> -> memref<1x79x128xi32, #tpu.memory_space<hbm>>
      %dma_start3A_35 = tpu.memref_squeeze %dma_start3A_34 : memref<1x79x128xi32, #tpu.memory_space<hbm>> -> memref<79x128xi32, #tpu.memory_space<hbm>>
      tpu.enqueue_dma source(%dma_start3A_35 : memref<79x128xi32, #tpu.memory_space<hbm>>) target(%arg6 : memref<79x128xi32, #tpu.memory_space<vmem>>) target_semaphore(%run_scoped3A : memref<!tpu.dma_semaphore, #tpu.memory_space<semaphore_mem>>)
      %dma_wait3A = arith.constant 0 : i32
      %dma_wait3A_36 = arith.constant 0 : i32
      %dma_wait3A_37 = tpu.memref_slice %arg3[%add3A, %dma_wait3A, %dma_wait3A_36] : memref<32x79x128xi32, #tpu.memory_space<hbm>> -> memref<1x79x128xi32, #tpu.memory_space<hbm>>
      %dma_wait3A_38 = tpu.memref_squeeze %dma_wait3A_37 : memref<1x79x128xi32, #tpu.memory_space<hbm>> -> memref<79x128xi32, #tpu.memory_space<hbm>>
      %dma_wait3A_39 = arith.constant 0 : i32
      %dma_wait3A_40 = arith.constant 0 : i32
      %dma_wait3A_41 = tpu.memref_slice %arg3[%add3A, %dma_wait3A_39, %dma_wait3A_40] : memref<32x79x128xi32, #tpu.memory_space<hbm>> -> memref<1x79x128xi32, #tpu.memory_space<hbm>>
      %dma_wait3A_42 = tpu.memref_squeeze %dma_wait3A_41 : memref<1x79x128xi32, #tpu.memory_space<hbm>> -> memref<79x128xi32, #tpu.memory_space<hbm>>
      tpu.wait_dma2 semaphore(%run_scoped3A : memref<!tpu.dma_semaphore, #tpu.memory_space<semaphore_mem>>) src(%dma_wait3A_42 : memref<79x128xi32, #tpu.memory_space<hbm>>) dst(%arg6 : memref<79x128xi32, #tpu.memory_space<vmem>>)
      tpu.yield
    }) : () -> ()
    "tpu.region"() ({
      %run_scoped3A = tpu.sem_alloc : memref<!tpu.dma_semaphore, #tpu.memory_space<semaphore_mem>>
      %dma_start3A = arith.constant 0 : i32
      %dma_start3A_29 = arith.constant 0 : i32
      %dma_start3A_30 = tpu.memref_slice %arg4[%add3A, %dma_start3A, %dma_start3A_29] : memref<32x79x128xi32, #tpu.memory_space<hbm>> -> memref<1x79x128xi32, #tpu.memory_space<hbm>>
      %dma_start3A_31 = tpu.memref_squeeze %dma_start3A_30 : memref<1x79x128xi32, #tpu.memory_space<hbm>> -> memref<79x128xi32, #tpu.memory_space<hbm>>
      %dma_start3A_32 = arith.constant 0 : i32
      %dma_start3A_33 = arith.constant 0 : i32
      %dma_start3A_34 = tpu.memref_slice %arg4[%add3A, %dma_start3A_32, %dma_start3A_33] : memref<32x79x128xi32, #tpu.memory_space<hbm>> -> memref<1x79x128xi32, #tpu.memory_space<hbm>>
      %dma_start3A_35 = tpu.memref_squeeze %dma_start3A_34 : memref<1x79x128xi32, #tpu.memory_space<hbm>> -> memref<79x128xi32, #tpu.memory_space<hbm>>
      tpu.enqueue_dma source(%dma_start3A_35 : memref<79x128xi32, #tpu.memory_space<hbm>>) target(%arg7 : memref<79x128xi32, #tpu.memory_space<vmem>>) target_semaphore(%run_scoped3A : memref<!tpu.dma_semaphore, #tpu.memory_space<semaphore_mem>>)
      %dma_wait3A = arith.constant 0 : i32
      %dma_wait3A_36 = arith.constant 0 : i32
      %dma_wait3A_37 = tpu.memref_slice %arg4[%add3A, %dma_wait3A, %dma_wait3A_36] : memref<32x79x128xi32, #tpu.memory_space<hbm>> -> memref<1x79x128xi32, #tpu.memory_space<hbm>>
      %dma_wait3A_38 = tpu.memref_squeeze %dma_wait3A_37 : memref<1x79x128xi32, #tpu.memory_space<hbm>> -> memref<79x128xi32, #tpu.memory_space<hbm>>
      %dma_wait3A_39 = arith.constant 0 : i32
      %dma_wait3A_40 = arith.constant 0 : i32
      %dma_wait3A_41 = tpu.memref_slice %arg4[%add3A, %dma_wait3A_39, %dma_wait3A_40] : memref<32x79x128xi32, #tpu.memory_space<hbm>> -> memref<1x79x128xi32, #tpu.memory_space<hbm>>
      %dma_wait3A_42 = tpu.memref_squeeze %dma_wait3A_41 : memref<1x79x128xi32, #tpu.memory_space<hbm>> -> memref<79x128xi32, #tpu.memory_space<hbm>>
      tpu.wait_dma2 semaphore(%run_scoped3A : memref<!tpu.dma_semaphore, #tpu.memory_space<semaphore_mem>>) src(%dma_wait3A_42 : memref<79x128xi32, #tpu.memory_space<hbm>>) dst(%arg7 : memref<79x128xi32, #tpu.memory_space<vmem>>)
      tpu.yield
    }) : () -> ()
    %barrier3A = arith.constant 0 : index
    tpu.barrier barrier_id(%barrier3A)
    %scan3A_14 = arith.constant 0 : i32
    %scan3A_15 = arith.constant 0 : i32
    %scan3A_16 = arith.constant 79 : i32
    %scan3A_17 = arith.addi %scan3A_15, %scan3A_16 : i32
    %scan3A_18 = arith.constant 1 : i32
    %scan3A_19 = scf.for %scan3A_29 = %scan3A_15 to %scan3A_17 step %scan3A_18 iter_args(%scan3A_30 = %scan3A_14) -> (i32)  : i32 {
      %dma_start3A = arith.constant 0 : i32
      %dma_start3A_31 = tpu.memref_slice %arg6[%scan3A_29, %dma_start3A] : memref<79x128xi32, #tpu.memory_space<vmem>> -> memref<1x128xi32, #tpu.memory_space<vmem>>
      %dma_start3A_32 = tpu.memref_squeeze %dma_start3A_31 : memref<1x128xi32, #tpu.memory_space<vmem>> -> memref<128xi32, #tpu.memory_space<vmem>>
      %dma_start3A_33 = arith.constant 0 : i32
      %dma_start3A_34 = arith.constant 0 : i32
      %dma_start3A_35 = tpu.memref_slice %arg2[%dma_start3A_33, %dma_start3A_34] : memref<10000x128xf32, #tpu.memory_space<hbm>> -> memref<10000x128xf32, #tpu.memory_space<hbm>>
      tpu.enqueue_indirect_dma source(%dma_start3A_35 : memref<10000x128xf32, #tpu.memory_space<hbm>>) target(%arg8 : memref<128x128xf32, #tpu.memory_space<vmem>>) offsets(%dma_start3A_32 : memref<128xi32, #tpu.memory_space<vmem>>) semaphore(%arg10 : memref<!tpu.dma_semaphore, #tpu.memory_space<semaphore_mem>>)
      %dma_wait3A = arith.constant 0 : i32
      %dma_wait3A_36 = tpu.memref_slice %arg6[%scan3A_29, %dma_wait3A] : memref<79x128xi32, #tpu.memory_space<vmem>> -> memref<1x128xi32, #tpu.memory_space<vmem>>
      %dma_wait3A_37 = tpu.memref_squeeze %dma_wait3A_36 : memref<1x128xi32, #tpu.memory_space<vmem>> -> memref<128xi32, #tpu.memory_space<vmem>>
      %dma_wait3A_38 = arith.constant 0 : i32
      %dma_wait3A_39 = arith.constant 0 : i32
      %dma_wait3A_40 = tpu.memref_slice %arg2[%dma_wait3A_38, %dma_wait3A_39] : memref<10000x128xf32, #tpu.memory_space<hbm>> -> memref<10000x128xf32, #tpu.memory_space<hbm>>
      tpu.wait_indirect_dma semaphore(%arg10 : memref<!tpu.dma_semaphore, #tpu.memory_space<semaphore_mem>>) src(%dma_wait3A_40 : memref<10000x128xf32, #tpu.memory_space<hbm>>) dst(%arg8 : memref<128x128xf32, #tpu.memory_space<vmem>>)
      "tpu.region"() ({
        %run_scoped3A = tpu.sem_alloc : memref<!tpu.dma_semaphore, #tpu.memory_space<semaphore_mem>>
        %dma_start3A_42 = arith.constant 0 : i32
        %dma_start3A_43 = tpu.memref_slice %arg7[%scan3A_29, %dma_start3A_42] : memref<79x128xi32, #tpu.memory_space<vmem>> -> memref<1x128xi32, #tpu.memory_space<vmem>>
        %dma_start3A_44 = tpu.memref_squeeze %dma_start3A_43 : memref<1x128xi32, #tpu.memory_space<vmem>> -> memref<128xi32, #tpu.memory_space<vmem>>
        %dma_start3A_45 = arith.constant 0 : i32
        %dma_start3A_46 = arith.constant 0 : i32
        %dma_start3A_47 = tpu.memref_slice %arg9[%dma_start3A_45, %dma_start3A_46] : memref<10240x128xf32, #tpu.memory_space<vmem_shared>> -> memref<10240x128xf32, #tpu.memory_space<vmem_shared>>
        tpu.enqueue_indirect_dma source(%arg8 : memref<128x128xf32, #tpu.memory_space<vmem>>) target(%dma_start3A_47 : memref<10240x128xf32, #tpu.memory_space<vmem_shared>>) offsets(%dma_start3A_44 : memref<128xi32, #tpu.memory_space<vmem>>) semaphore(%run_scoped3A : memref<!tpu.dma_semaphore, #tpu.memory_space<semaphore_mem>>) {add = true}
        %dma_wait3A_48 = arith.constant 0 : i32
        %dma_wait3A_49 = tpu.memref_slice %arg7[%scan3A_29, %dma_wait3A_48] : memref<79x128xi32, #tpu.memory_space<vmem>> -> memref<1x128xi32, #tpu.memory_space<vmem>>
        %dma_wait3A_50 = tpu.memref_squeeze %dma_wait3A_49 : memref<1x128xi32, #tpu.memory_space<vmem>> -> memref<128xi32, #tpu.memory_space<vmem>>
        %dma_wait3A_51 = arith.constant 0 : i32
        %dma_wait3A_52 = arith.constant 0 : i32
        %dma_wait3A_53 = tpu.memref_slice %arg9[%dma_wait3A_51, %dma_wait3A_52] : memref<10240x128xf32, #tpu.memory_space<vmem_shared>> -> memref<10240x128xf32, #tpu.memory_space<vmem_shared>>
        tpu.wait_indirect_dma semaphore(%run_scoped3A : memref<!tpu.dma_semaphore, #tpu.memory_space<semaphore_mem>>) src(%arg8 : memref<128x128xf32, #tpu.memory_space<vmem>>) dst(%dma_wait3A_53 : memref<10240x128xf32, #tpu.memory_space<vmem_shared>>)
        tpu.yield
      }) : () -> ()
      %scan3A_41 = arith.constant 0 : i32
      scf.yield %scan3A_41 : i32
    }
    %scan3A_20 = arith.constant 79 : i32
    %barrier3A_21 = arith.constant 0 : index
    tpu.barrier barrier_id(%barrier3A_21)
    %scan3A_22 = arith.constant 0 : i32
    %scan3A_23 = arith.constant 0 : i32
    %scan3A_24 = arith.constant 5 : i32
    %scan3A_25 = arith.addi %scan3A_23, %scan3A_24 : i32
    %scan3A_26 = arith.constant 1 : i32
    %scan3A_27 = scf.for %scan3A_29 = %scan3A_23 to %scan3A_25 step %scan3A_26 iter_args(%scan3A_30 = %scan3A_22) -> (i32)  : i32 {
      %mul3A_31 = arith.constant 640 : i32
      %mul3A_32 = arith.muli %arg1, %mul3A_31 : i32
      %mul3A_33 = arith.constant 128 : i32
      %mul3A_34 = arith.muli %scan3A_29, %mul3A_33 : i32
      %add3A_35 = arith.addi %mul3A_32, %mul3A_34 : i32
      %mul3A_36 = arith.constant 640 : i32
      %mul3A_37 = arith.muli %arg1, %mul3A_36 : i32
      %mul3A_38 = arith.constant 128 : i32
      %mul3A_39 = arith.muli %scan3A_29, %mul3A_38 : i32
      %add3A_40 = arith.addi %mul3A_37, %mul3A_39 : i32
      "tpu.region"() ({
        %run_scoped3A = tpu.sem_alloc : memref<!tpu.dma_semaphore, #tpu.memory_space<semaphore_mem>>
        %dma_start3A = arith.constant 0 : i32
        %dma_start3A_42 = tpu.memref_slice %arg5[%arg0, %add3A_40, %dma_start3A] : memref<2x10240x128xf32, #tpu.memory_space<hbm>> -> memref<1x128x128xf32, #tpu.memory_space<hbm>>
        %dma_start3A_43 = tpu.memref_squeeze %dma_start3A_42 : memref<1x128x128xf32, #tpu.memory_space<hbm>> -> memref<128x128xf32, #tpu.memory_space<hbm>>
        %dma_start3A_44 = arith.constant 0 : i32
        %dma_start3A_45 = tpu.memref_slice %arg9[%add3A_35, %dma_start3A_44] : memref<10240x128xf32, #tpu.memory_space<vmem_shared>> -> memref<128x128xf32, #tpu.memory_space<vmem_shared>>
        tpu.enqueue_dma source(%dma_start3A_45 : memref<128x128xf32, #tpu.memory_space<vmem_shared>>) target(%dma_start3A_43 : memref<128x128xf32, #tpu.memory_space<hbm>>) target_semaphore(%run_scoped3A : memref<!tpu.dma_semaphore, #tpu.memory_space<semaphore_mem>>)
        %dma_wait3A = arith.constant 0 : i32
        %dma_wait3A_46 = tpu.memref_slice %arg5[%arg0, %add3A_40, %dma_wait3A] : memref<2x10240x128xf32, #tpu.memory_space<hbm>> -> memref<1x128x128xf32, #tpu.memory_space<hbm>>
        %dma_wait3A_47 = tpu.memref_squeeze %dma_wait3A_46 : memref<1x128x128xf32, #tpu.memory_space<hbm>> -> memref<128x128xf32, #tpu.memory_space<hbm>>
        %dma_wait3A_48 = arith.constant 0 : i32
        %dma_wait3A_49 = tpu.memref_slice %arg9[%add3A_35, %dma_wait3A_48] : memref<10240x128xf32, #tpu.memory_space<vmem_shared>> -> memref<128x128xf32, #tpu.memory_space<vmem_shared>>
        tpu.wait_dma2 semaphore(%run_scoped3A : memref<!tpu.dma_semaphore, #tpu.memory_space<semaphore_mem>>) src(%dma_wait3A_49 : memref<128x128xf32, #tpu.memory_space<vmem_shared>>) dst(%dma_wait3A_47 : memref<128x128xf32, #tpu.memory_space<hbm>>)
        tpu.yield
      }) : () -> ()
      %scan3A_41 = arith.constant 0 : i32
      scf.yield %scan3A_41 : i32
    }
    %scan3A_28 = arith.constant 5 : i32
    return
  }
}

module attributes {stable_mosaic.version = 14 : i64} {
  func.func @_tc1a_body(%arg0: i32, %arg1: memref<1000x128xf32, #tpu.memory_space<vmem>>, %arg2: memref<128x128xf32, #tpu.memory_space<vmem>>, %arg3: memref<1000x128xf32, #tpu.memory_space<vmem>>) attributes {dimension_semantics = [#tpu.dimension_semantics<arbitrary>], iteration_bounds = array<i64: 10>, scalar_prefetch = 0 : i64, scratch_operands = 0 : i64, tpu.core_type = #tpu.core_type<tc>, window_params = [{transform_indices = @transform_0, window_bounds = array<i64: 1000, 128>}, {pipeline_mode = #tpu.pipeline_mode<synchronous>, transform_indices = @transform_1, window_bounds = array<i64: 128, 128>}, {transform_indices = @transform_2, window_bounds = array<i64: 1000, 128>}]} {
    %get3A = arith.constant 0 : index
    %get3A_0 = arith.constant 0 : index
    %get3A_1 = vector.load %arg1[%get3A, %get3A_0] : memref<1000x128xf32, #tpu.memory_space<vmem>>, vector<1000x128xf32>
    %get3A_2 = arith.constant 0 : index
    %get3A_3 = arith.constant 0 : index
    %get3A_4 = vector.load %arg2[%get3A_2, %get3A_3] : memref<128x128xf32, #tpu.memory_space<vmem>>, vector<128x128xf32>
    %dot_general3A = arith.constant dense<0.000000e+00> : vector<1000x128xf32>
    %dot_general3A_5 = tpu.matmul %get3A_1, %get3A_4, %dot_general3A {dimension_numbers = #tpu.dot_dimension_numbers<[1], [0], [0], [1], [0, 0, 1, 1], [], []>, transpose_lhs_hint = false} : vector<1000x128xf32>, vector<128x128xf32>, vector<1000x128xf32> -> vector<1000x128xf32>
    %swap3A = arith.constant 0 : index
    %swap3A_6 = arith.constant 0 : index
    %swap3A_7 = vector.load %arg3[%swap3A, %swap3A_6] : memref<1000x128xf32, #tpu.memory_space<vmem>>, vector<1000x128xf32>
    tpu.vector_store %arg3[%swap3A, %swap3A_6], %dot_general3A_5 {strides = array<i32>} : memref<1000x128xf32, #tpu.memory_space<vmem>>, vector<1000x128xf32>,
    return
  }
  func.func @transform_0(%arg0: i32) -> (i32, i32) {
    %c0_i32 = arith.constant 0 : i32
    %c0_i32_0 = arith.constant 0 : i32
    return %arg0, %c0_i32 : i32, i32
  }
  func.func @transform_1(%arg0: i32) -> (i32, i32) {
    %c0_i32 = arith.constant 0 : i32
    %c0_i32_0 = arith.constant 0 : i32
    %c0_i32_1 = arith.constant 0 : i32
    return %c0_i32, %c0_i32_0 : i32, i32
  }
  func.func @transform_2(%arg0: i32) -> (i32, i32) {
    %c0_i32 = arith.constant 0 : i32
    %c0_i32_0 = arith.constant 0 : i32
    return %arg0, %c0_i32 : i32, i32
  }
}

module attributes {stable_mosaic.version = 14 : i64} {
  func.func @_tc1b_body(%arg0: i32, %arg1: memref<2x1000x16xf32, #tpu.memory_space<vmem>>, %arg2: memref<1000x128xf32, #tpu.memory_space<vmem>>, %arg3: memref<1000x128xf32, #tpu.memory_space<vmem>>, %arg4: memref<1000x1xf32, #tpu.memory_space<vmem>>) attributes {dimension_semantics = [#tpu.dimension_semantics<arbitrary>], iteration_bounds = array<i64: 10>, scalar_prefetch = 0 : i64, scratch_operands = 0 : i64, tpu.core_type = #tpu.core_type<tc>, window_params = [{transform_indices = @transform_0, window_bounds = array<i64: 2, 1000, 16>}, {transform_indices = @transform_1, window_bounds = array<i64: 1000, 128>}, {transform_indices = @transform_2, window_bounds = array<i64: 1000, 128>}, {transform_indices = @transform_3, window_bounds = array<i64: 1000, 1>}]} {
    %get3A = arith.constant 0 : index
    %get3A_0 = arith.constant 0 : index
    %get3A_1 = arith.constant 0 : index
    %get3A_2 = vector.load %arg1[%get3A, %get3A_0, %get3A_1] : memref<2x1000x16xf32, #tpu.memory_space<vmem>>, vector<2x1000x16xf32>
    %slice3A = vector.extract_strided_slice %get3A_2 {offsets = [0, 0, 0], sizes = [1, 1000, 16], strides = [1, 1, 1]} : vector<2x1000x16xf32> to vector<1x1000x16xf32>
    %squeeze3A = vector.shape_cast %slice3A : vector<1x1000x16xf32> to vector<1000x16xf32>
    %slice3A_3 = vector.extract_strided_slice %get3A_2 {offsets = [1, 0, 0], sizes = [1, 1000, 16], strides = [1, 1, 1]} : vector<2x1000x16xf32> to vector<1x1000x16xf32>
    %squeeze3A_4 = vector.shape_cast %slice3A_3 : vector<1x1000x16xf32> to vector<1000x16xf32>
    %add3A = arith.addf %squeeze3A, %squeeze3A_4 : vector<1000x16xf32>
    %slice3A_5 = vector.extract_strided_slice %add3A {offsets = [0, 0], sizes = [1000, 1], strides = [1, 1]} : vector<1000x16xf32> to vector<1000x1xf32>
    %add3A_6 = arith.constant 1.000000e+00 : f32
    %add3A_7 = vector.broadcast %add3A_6 : f32 to vector<1000x1xf32>
    %add3A_8 = arith.addf %slice3A_5, %add3A_7 : vector<1000x1xf32>
    %rsqrt3A = math.rsqrt %add3A_8 : vector<1000x1xf32>
    %get3A_9 = arith.constant 0 : index
    %get3A_10 = arith.constant 0 : index
    %get3A_11 = vector.load %arg2[%get3A_9, %get3A_10] : memref<1000x128xf32, #tpu.memory_space<vmem>>, vector<1000x128xf32>
    %mul3A = vector.broadcast %rsqrt3A : vector<1000x1xf32> to vector<1000x128xf32>
    %mul3A_12 = arith.mulf %get3A_11, %mul3A : vector<1000x128xf32>
    %swap3A = arith.constant 0 : index
    %swap3A_13 = arith.constant 0 : index
    %swap3A_14 = vector.load %arg3[%swap3A, %swap3A_13] : memref<1000x128xf32, #tpu.memory_space<vmem>>, vector<1000x128xf32>
    tpu.vector_store %arg3[%swap3A, %swap3A_13], %mul3A_12 {strides = array<i32>} : memref<1000x128xf32, #tpu.memory_space<vmem>>, vector<1000x128xf32>,
    %swap3A_15 = arith.constant 0 : index
    %swap3A_16 = arith.constant 0 : index
    %swap3A_17 = vector.load %arg4[%swap3A_15, %swap3A_16] : memref<1000x1xf32, #tpu.memory_space<vmem>>, vector<1000x1xf32>
    tpu.vector_store %arg4[%swap3A_15, %swap3A_16], %rsqrt3A {strides = array<i32>} : memref<1000x1xf32, #tpu.memory_space<vmem>>, vector<1000x1xf32>,
    return
  }
  func.func @transform_0(%arg0: i32) -> (i32, i32, i32) {
    %c0_i32 = arith.constant 0 : i32
    %c0_i32_0 = arith.constant 0 : i32
    %c0_i32_1 = arith.constant 0 : i32
    return %c0_i32, %arg0, %c0_i32_0 : i32, i32, i32
  }
  func.func @transform_1(%arg0: i32) -> (i32, i32) {
    %c0_i32 = arith.constant 0 : i32
    %c0_i32_0 = arith.constant 0 : i32
    return %arg0, %c0_i32 : i32, i32
  }
  func.func @transform_2(%arg0: i32) -> (i32, i32) {
    %c0_i32 = arith.constant 0 : i32
    %c0_i32_0 = arith.constant 0 : i32
    return %arg0, %c0_i32 : i32, i32
  }
  func.func @transform_3(%arg0: i32) -> (i32, i32) {
    %c0_i32 = arith.constant 0 : i32
    %c0_i32_0 = arith.constant 0 : i32
    return %arg0, %c0_i32 : i32, i32
  }
}

module attributes {stable_mosaic.version = 14 : i64} {
  func.func @_tc2_body(%arg0: i32, %arg1: memref<2x1000x128xf32, #tpu.memory_space<vmem>>, %arg2: memref<1000x128xf32, #tpu.memory_space<vmem>>, %arg3: memref<1000x1xf32, #tpu.memory_space<vmem>>, %arg4: memref<1x128xf32, #tpu.memory_space<vmem>>, %arg5: memref<128x128xf32, #tpu.memory_space<vmem>>, %arg6: memref<1000x128xf32, #tpu.memory_space<vmem>>, %arg7: memref<1000x128xf32, #tpu.memory_space<vmem>>) attributes {dimension_semantics = [#tpu.dimension_semantics<arbitrary>], iteration_bounds = array<i64: 10>, scalar_prefetch = 0 : i64, scratch_operands = 0 : i64, tpu.core_type = #tpu.core_type<tc>, window_params = [{transform_indices = @transform_0, window_bounds = array<i64: 2, 1000, 128>}, {transform_indices = @transform_1, window_bounds = array<i64: 1000, 128>}, {transform_indices = @transform_2, window_bounds = array<i64: 1000, 1>}, {pipeline_mode = #tpu.pipeline_mode<synchronous>, transform_indices = @transform_3, window_bounds = array<i64: 1, 128>}, {pipeline_mode = #tpu.pipeline_mode<synchronous>, transform_indices = @transform_4, window_bounds = array<i64: 128, 128>}, {transform_indices = @transform_5, window_bounds = array<i64: 1000, 128>}, {transform_indices = @transform_6, window_bounds = array<i64: 1000, 128>}]} {
    %get3A = arith.constant 0 : index
    %get3A_0 = arith.constant 0 : index
    %get3A_1 = arith.constant 0 : index
    %get3A_2 = vector.load %arg1[%get3A, %get3A_0, %get3A_1] : memref<2x1000x128xf32, #tpu.memory_space<vmem>>, vector<1x1000x128xf32>
    %get3A_3 = vector.shape_cast %get3A_2 : vector<1x1000x128xf32> to vector<1000x128xf32>
    %get3A_4 = arith.constant 1 : index
    %get3A_5 = arith.constant 0 : index
    %get3A_6 = arith.constant 0 : index
    %get3A_7 = vector.load %arg1[%get3A_4, %get3A_5, %get3A_6] : memref<2x1000x128xf32, #tpu.memory_space<vmem>>, vector<1x1000x128xf32>
    %get3A_8 = vector.shape_cast %get3A_7 : vector<1x1000x128xf32> to vector<1000x128xf32>
    %add3A = arith.addf %get3A_3, %get3A_8 : vector<1000x128xf32>
    %get3A_9 = arith.constant 0 : index
    %get3A_10 = arith.constant 0 : index
    %get3A_11 = vector.load %arg2[%get3A_9, %get3A_10] : memref<1000x128xf32, #tpu.memory_space<vmem>>, vector<1000x128xf32>
    %add3A_12 = arith.addf %add3A, %get3A_11 : vector<1000x128xf32>
    %get3A_13 = arith.constant 0 : index
    %get3A_14 = arith.constant 0 : index
    %get3A_15 = vector.load %arg3[%get3A_13, %get3A_14] : memref<1000x1xf32, #tpu.memory_space<vmem>>, vector<1000x1xf32>
    %mul3A = vector.broadcast %get3A_15 : vector<1000x1xf32> to vector<1000x128xf32>
    %mul3A_16 = arith.mulf %mul3A, %add3A_12 : vector<1000x128xf32>
    %get3A_17 = arith.constant 0 : index
    %get3A_18 = arith.constant 0 : index
    %get3A_19 = vector.load %arg4[%get3A_17, %get3A_18] : memref<1x128xf32, #tpu.memory_space<vmem>>, vector<1x128xf32>
    %add3A_20 = vector.broadcast %get3A_19 : vector<1x128xf32> to vector<1000x128xf32>
    %add3A_21 = arith.addf %mul3A_16, %add3A_20 : vector<1000x128xf32>
    %max3A = arith.constant 0.000000e+00 : f32
    %max3A_22 = vector.broadcast %max3A : f32 to vector<1000x128xf32>
    %max3A_23 = arith.maximumf %add3A_21, %max3A_22 : vector<1000x128xf32>
    %swap3A = arith.constant 0 : index
    %swap3A_24 = arith.constant 0 : index
    %swap3A_25 = vector.load %arg6[%swap3A, %swap3A_24] : memref<1000x128xf32, #tpu.memory_space<vmem>>, vector<1000x128xf32>
    tpu.vector_store %arg6[%swap3A, %swap3A_24], %max3A_23 {strides = array<i32>} : memref<1000x128xf32, #tpu.memory_space<vmem>>, vector<1000x128xf32>,
    %get3A_26 = arith.constant 0 : index
    %get3A_27 = arith.constant 0 : index
    %get3A_28 = vector.load %arg5[%get3A_26, %get3A_27] : memref<128x128xf32, #tpu.memory_space<vmem>>, vector<128x128xf32>
    %dot_general3A = arith.constant dense<0.000000e+00> : vector<1000x128xf32>
    %dot_general3A_29 = tpu.matmul %max3A_23, %get3A_28, %dot_general3A {dimension_numbers = #tpu.dot_dimension_numbers<[1], [0], [0], [1], [0, 0, 1, 1], [], []>, transpose_lhs_hint = false} : vector<1000x128xf32>, vector<128x128xf32>, vector<1000x128xf32> -> vector<1000x128xf32>
    %mul3A_30 = vector.broadcast %get3A_15 : vector<1000x1xf32> to vector<1000x128xf32>
    %mul3A_31 = arith.mulf %mul3A_30, %dot_general3A_29 : vector<1000x128xf32>
    %swap3A_32 = arith.constant 0 : index
    %swap3A_33 = arith.constant 0 : index
    %swap3A_34 = vector.load %arg7[%swap3A_32, %swap3A_33] : memref<1000x128xf32, #tpu.memory_space<vmem>>, vector<1000x128xf32>
    tpu.vector_store %arg7[%swap3A_32, %swap3A_33], %mul3A_31 {strides = array<i32>} : memref<1000x128xf32, #tpu.memory_space<vmem>>, vector<1000x128xf32>,
    return
  }
  func.func @transform_0(%arg0: i32) -> (i32, i32, i32) {
    %c0_i32 = arith.constant 0 : i32
    %c0_i32_0 = arith.constant 0 : i32
    %c0_i32_1 = arith.constant 0 : i32
    return %c0_i32, %arg0, %c0_i32_0 : i32, i32, i32
  }
  func.func @transform_1(%arg0: i32) -> (i32, i32) {
    %c0_i32 = arith.constant 0 : i32
    %c0_i32_0 = arith.constant 0 : i32
    return %arg0, %c0_i32 : i32, i32
  }
  func.func @transform_2(%arg0: i32) -> (i32, i32) {
    %c0_i32 = arith.constant 0 : i32
    %c0_i32_0 = arith.constant 0 : i32
    return %arg0, %c0_i32 : i32, i32
  }
  func.func @transform_3(%arg0: i32) -> (i32, i32) {
    %c0_i32 = arith.constant 0 : i32
    %c0_i32_0 = arith.constant 0 : i32
    %c0_i32_1 = arith.constant 0 : i32
    return %c0_i32, %c0_i32_0 : i32, i32
  }
  func.func @transform_4(%arg0: i32) -> (i32, i32) {
    %c0_i32 = arith.constant 0 : i32
    %c0_i32_0 = arith.constant 0 : i32
    %c0_i32_1 = arith.constant 0 : i32
    return %c0_i32, %c0_i32_0 : i32, i32
  }
  func.func @transform_5(%arg0: i32) -> (i32, i32) {
    %c0_i32 = arith.constant 0 : i32
    %c0_i32_0 = arith.constant 0 : i32
    return %arg0, %c0_i32 : i32, i32
  }
  func.func @transform_6(%arg0: i32) -> (i32, i32) {
    %c0_i32 = arith.constant 0 : i32
    %c0_i32_0 = arith.constant 0 : i32
    return %arg0, %c0_i32 : i32, i32
  }
}

module attributes {stable_mosaic.version = 14 : i64} {
  func.func @_tc3_body(%arg0: i32, %arg1: memref<2x1000x128xf32, #tpu.memory_space<vmem>>, %arg2: memref<1000x128xf32, #tpu.memory_space<vmem>>, %arg3: memref<1000x1xf32, #tpu.memory_space<vmem>>, %arg4: memref<1x128xf32, #tpu.memory_space<vmem>>, %arg5: memref<1000x128xf32, #tpu.memory_space<vmem>>) attributes {dimension_semantics = [#tpu.dimension_semantics<arbitrary>], iteration_bounds = array<i64: 10>, scalar_prefetch = 0 : i64, scratch_operands = 0 : i64, tpu.core_type = #tpu.core_type<tc>, window_params = [{transform_indices = @transform_0, window_bounds = array<i64: 2, 1000, 128>}, {transform_indices = @transform_1, window_bounds = array<i64: 1000, 128>}, {transform_indices = @transform_2, window_bounds = array<i64: 1000, 1>}, {pipeline_mode = #tpu.pipeline_mode<synchronous>, transform_indices = @transform_3, window_bounds = array<i64: 1, 128>}, {transform_indices = @transform_4, window_bounds = array<i64: 1000, 128>}]} {
    %get3A = arith.constant 0 : index
    %get3A_0 = arith.constant 0 : index
    %get3A_1 = arith.constant 0 : index
    %get3A_2 = vector.load %arg1[%get3A, %get3A_0, %get3A_1] : memref<2x1000x128xf32, #tpu.memory_space<vmem>>, vector<1x1000x128xf32>
    %get3A_3 = vector.shape_cast %get3A_2 : vector<1x1000x128xf32> to vector<1000x128xf32>
    %get3A_4 = arith.constant 1 : index
    %get3A_5 = arith.constant 0 : index
    %get3A_6 = arith.constant 0 : index
    %get3A_7 = vector.load %arg1[%get3A_4, %get3A_5, %get3A_6] : memref<2x1000x128xf32, #tpu.memory_space<vmem>>, vector<1x1000x128xf32>
    %get3A_8 = vector.shape_cast %get3A_7 : vector<1x1000x128xf32> to vector<1000x128xf32>
    %add3A = arith.addf %get3A_3, %get3A_8 : vector<1000x128xf32>
    %get3A_9 = arith.constant 0 : index
    %get3A_10 = arith.constant 0 : index
    %get3A_11 = vector.load %arg2[%get3A_9, %get3A_10] : memref<1000x128xf32, #tpu.memory_space<vmem>>, vector<1000x128xf32>
    %add3A_12 = arith.addf %add3A, %get3A_11 : vector<1000x128xf32>
    %get3A_13 = arith.constant 0 : index
    %get3A_14 = arith.constant 0 : index
    %get3A_15 = vector.load %arg3[%get3A_13, %get3A_14] : memref<1000x1xf32, #tpu.memory_space<vmem>>, vector<1000x1xf32>
    %mul3A = vector.broadcast %get3A_15 : vector<1000x1xf32> to vector<1000x128xf32>
    %mul3A_16 = arith.mulf %mul3A, %add3A_12 : vector<1000x128xf32>
    %get3A_17 = arith.constant 0 : index
    %get3A_18 = arith.constant 0 : index
    %get3A_19 = vector.load %arg4[%get3A_17, %get3A_18] : memref<1x128xf32, #tpu.memory_space<vmem>>, vector<1x128xf32>
    %add3A_20 = vector.broadcast %get3A_19 : vector<1x128xf32> to vector<1000x128xf32>
    %add3A_21 = arith.addf %mul3A_16, %add3A_20 : vector<1000x128xf32>
    %swap3A = arith.constant 0 : index
    %swap3A_22 = arith.constant 0 : index
    %swap3A_23 = vector.load %arg5[%swap3A, %swap3A_22] : memref<1000x128xf32, #tpu.memory_space<vmem>>, vector<1000x128xf32>
    tpu.vector_store %arg5[%swap3A, %swap3A_22], %add3A_21 {strides = array<i32>} : memref<1000x128xf32, #tpu.memory_space<vmem>>, vector<1000x128xf32>,
    return
  }
  func.func @transform_0(%arg0: i32) -> (i32, i32, i32) {
    %c0_i32 = arith.constant 0 : i32
    %c0_i32_0 = arith.constant 0 : i32
    %c0_i32_1 = arith.constant 0 : i32
    return %c0_i32, %arg0, %c0_i32_0 : i32, i32, i32
  }
  func.func @transform_1(%arg0: i32) -> (i32, i32) {
    %c0_i32 = arith.constant 0 : i32
    %c0_i32_0 = arith.constant 0 : i32
    return %arg0, %c0_i32 : i32, i32
  }
  func.func @transform_2(%arg0: i32) -> (i32, i32) {
    %c0_i32 = arith.constant 0 : i32
    %c0_i32_0 = arith.constant 0 : i32
    return %arg0, %c0_i32 : i32, i32
  }
  func.func @transform_3(%arg0: i32) -> (i32, i32) {
    %c0_i32 = arith.constant 0 : i32
    %c0_i32_0 = arith.constant 0 : i32
    %c0_i32_1 = arith.constant 0 : i32
    return %c0_i32, %c0_i32_0 : i32, i32
  }
  func.func @transform_4(%arg0: i32) -> (i32, i32) {
    %c0_i32 = arith.constant 0 : i32
    %c0_i32_0 = arith.constant 0 : i32
    return %arg0, %c0_i32 : i32, i32
  }
}

</mosaic_0001>

<sc_bundles>
// kernel: kernel.12.cloned.1.call-start
scs
__scs_entry_jumppad:
0x0: {  	(pc) =	sbr.rel $0x88, $3  }
0x1: {  	(tag) =	ssettag $0x0;
	lr =	simm.s32 $0x1  }
0x2: {  	[smem:$0x3F9B] =	sst lr;
	_ =	strace $0xD0000000  }
0x3: {  	_ = 	snop  }
0x4: {  	_ = 	snop  }
0x5: {  	_ = 	snop  }
0x6: {  	_ = 	snop  }
0x7: {  	_ = 	snop  }
__scs_overlays_trampoline_lowered:
0x8: {  	[smem:$0x3FAA] =	sst s0  }
0x9: {  	[smem:$0x3FAB] =	sst s1  }
0xa: {  	[smem:$0x3FAC] =	sst s2  }
0xb: {  	[smem:$0x3FAD] =	sst s3  }
0xc: {  	[smem:$0x3FAE] =	sst s4  }
0xd: {  	[smem:$0x3FAF] =	sst s5  }
0xe: {  	[smem:$0x3FB0] =	sst s6  }
0xf: {  	[smem:$0x3FB1] =	sst s7  }
0x10: {  	[smem:$0x3FB2] =	sst s8  }
0x11: {  	[smem:$0x3FB3] =	sst s9;
	s0 =	simm.s32 @!p0 $0x0  }
0x12: {  	s1 =	sld [smem:$0x3F99];
	s0 =	simm.s32 @p0 $0x1  }
0x13: {  	[smem:$0x3FB4] =	sst s0;
	s0 =	simm.s32 @!p1 $0x0  }
0x14: {  	s2 =	sld [smem:$0x3F98];
	s0 =	simm.s32 @p1 $0x1  }
0x15: {  	[smem:$0x3FB5] =	sst s0;
	s0 =	simm.s32 @!p2 $0x0  }
0x16: {  	s3 =	sld [smem:$0x3FDB];
	s0 =	simm.s32 @p2 $0x1  }
0x17: {  	s4 =	simm.s32 $0x1BF5;
	[smem:$0x3FB7] =	sst s0  }
0x18: {  	s0 =	sld [smem:$0x3F9A];
	_ =	swait.ge [sflag:s4], $0x0  }
0x19: {  	s7 =	sld [smem:$0x3F9B]  }
0x1a: {  	s8 =	sadd.s32 $0xFFFFE003, lr  }
0x1b: {  	s9 =	sadd.s32 $0xFFFFFEF7, lr;
	s5 =	simm.s32 $0xFFFFFFFF;
	p2 =	slt.u32 s8, $0xFFFFF086  }
0x1c: {  	p1 =	slt.u32 s9, $0xF7A;
	s5 =	simm.s32 @!p2 $0x0  }
0x1d: {  	s5 =	simm.s32 @p1 $0x1;
	p0 =	seq.s32 s7, s2  }
0x1e: {  	s7 =	smul.u32 @!p0 $0xF7A, s2;
	p2 =	seq.s32 @!p0 s5, $0x0  }
0x1f: {  	s9 =	smul.u32 $0xF7A, s1;
	s8 =	simm.s32 @!p0 $0x1BF5;
	p2 =	por !p2, p0  }
0x20: {  	[sflag:s8] =	ssyncset.s32 @!p0 $0xFFFFF086;
	s6 =	sadd.s32 @!p0 s3, s7;
	s7 =	simm.s32 @!p0 $0x108  }
0x21: {  	s3 =	sadd.s32 s3, s9;
	s6 =	sadd.s32 @!p0 $0x88, s6;
	s7 =	simm.s32 @p2 $0x1082  }
0x22: {  	[simem:s7], [sflag:s8] =	dma.local @!p0 [hbm:s6], $0xF7A  }
0x23: {  	s9 =	sor.u32 $0xD0000000, s2;
	s6 =	simm.s32 $0x108;
	_ =	swait.ge @!p0 [sflag:s8], $0x0  }
0x24: {  	s3 =	sadd.s32 $0x88, s3;
	s6 =	simm.s32 @!p1 $0x1082;
	[sflag:s4] =	ssyncset.s32 $0xFFFFF086  }
0x25: {  	[simem:s6], [sflag:s4] =	dma.local [hbm:s3], $0xF7A  }
0x26: {  	[smem:$0x3F9B] =	sst s1;
	(tag) =	ssettag s2;
	_ =	strace s9  }
0x27: {  	s1 =	sld [smem:$0x3FAB]  }
0x28: {  	s2 =	sld [smem:$0x3FAC]  }
0x29: {  	s4 =	sld [smem:$0x3FAE]  }
0x2a: {  	p0 =	seq.s32 s5, $0x0;
	s5 =	sld [smem:$0x3FAF]  }
0x2b: {  	s6 =	sld [smem:$0x3FB0]  }
0x2c: {  	s7 =	sld [smem:$0x3FB1]  }
0x2d: {  	s3 =	simm.s32 $0x108;
	s8 =	sld [smem:$0x3FB2]  }
0x2e: {  	s3 =	simm.s32 @!p0 $0x1082;
	s9 =	sld [smem:$0x3FB3]  }
0x2f: {  	lr =	sadd.s32 s0, s3;
	s0 =	sld [smem:$0x3FAA]  }
0x30: {  	s3 =	sld [smem:$0x3FAD]  }
0x31: {  	[smem:$0x3FB6] =	sst s10  }
0x32: {  	s10 =	sld [smem:$0x3FB4];
	_ =	sdelay $0x3  }
0x33: {  	p0 =	seq.s32 s10, $0x1;
	s10 =	sld [smem:$0x3FB6];
	_ =	sdelay $0x3  }
0x34: {  	[smem:$0x3FB6] =	sst s10  }
0x35: {  	s10 =	sld [smem:$0x3FB5];
	_ =	sdelay $0x3  }
0x36: {  	p1 =	seq.s32 s10, $0x1;
	s10 =	sld [smem:$0x3FB6];
	_ =	sdelay $0x3  }
0x37: {  	[smem:$0x3FB6] =	sst s10  }
0x38: {  	s10 =	sld [smem:$0x3FB7]  }
0x39: {  	_ = 	snop;
	(pc) =	sbr.ind lr, $3  }
0x3a: {  	_ = 	snop  }
0x3b: {  	_ = 	snop  }
0x3c: {  	p2 =	seq.s32 s10, $0x1;
	s10 =	sld [smem:$0x3FB6]  }
0x3d: {  	_ =	shalt  }
0x3e: {  	_ =	shalt  }
0x3f: {  	_ =	shalt  }
0x40: {  	_ =	shalt  }
0x41: {  	_ =	shalt  }
0x42: {  	_ =	shalt  }
0x43: {  	_ =	shalt  }
0x44: {  	_ =	shalt  }
0x45: {  	_ =	shalt  }
0x46: {  	_ =	shalt  }
0x47: {  	_ =	shalt  }
0x48: {  	_ =	shalt  }
0x49: {  	_ =	shalt  }
0x4a: {  	_ =	shalt  }
0x4b: {  	_ =	shalt  }
0x4c: {  	_ =	shalt  }
0x4d: {  	_ =	shalt  }
0x4e: {  	_ =	shalt  }
0x4f: {  	_ =	shalt  }
0x50: {  	_ =	shalt  }
0x51: {  	_ =	shalt  }
0x52: {  	_ =	shalt  }
0x53: {  	_ =	shalt  }
0x54: {  	_ =	shalt  }
0x55: {  	_ =	shalt  }
0x56: {  	_ =	shalt  }
0x57: {  	_ =	shalt  }
0x58: {  	_ =	shalt  }
0x59: {  	_ =	shalt  }
0x5a: {  	_ =	shalt  }
0x5b: {  	_ =	shalt  }
0x5c: {  	_ =	shalt  }
0x5d: {  	_ =	shalt  }
0x5e: {  	_ =	shalt  }
0x5f: {  	_ =	shalt  }
0x60: {  	_ =	shalt  }
0x61: {  	_ =	shalt  }
0x62: {  	_ =	shalt  }
0x63: {  	_ =	shalt  }
0x64: {  	_ =	shalt  }
0x65: {  	_ =	shalt  }
0x66: {  	_ =	shalt  }
0x67: {  	_ =	shalt  }
0x68: {  	_ =	shalt  }
0x69: {  	_ =	shalt  }
0x6a: {  	_ =	shalt  }
0x6b: {  	_ =	shalt  }
0x6c: {  	_ =	shalt  }
0x6d: {  	_ =	shalt  }
0x6e: {  	_ =	shalt  }
0x6f: {  	_ =	shalt  }
0x70: {  	_ =	shalt  }
0x71: {  	_ =	shalt  }
0x72: {  	_ =	shalt  }
0x73: {  	_ =	shalt  }
0x74: {  	_ =	shalt  }
0x75: {  	_ =	shalt  }
0x76: {  	_ =	shalt  }
0x77: {  	_ =	shalt  }
0x78: {  	_ =	shalt  }
0x79: {  	_ =	shalt  }
0x7a: {  	_ =	shalt  }
0x7b: {  	_ =	shalt  }
0x7c: {  	_ =	shalt  }
0x7d: {  	_ =	shalt  }
0x7e: {  	_ =	shalt  }
0x7f: {  	_ =	shalt  }
0x80: {  	_ =	shalt  }
0x81: {  	_ =	shalt  }
0x82: {  	_ =	shalt  }
0x83: {  	_ =	shalt  }
0x84: {  	_ =	shalt  }
0x85: {  	_ =	shalt  }
0x86: {  	_ =	shalt  }
0x87: {  	_ =	shalt  }
.Lfunc_end0:
.L_simem_size_0:
called_computation.1_lowered:
.L_overlay_start_0:
0x88: {  	s2 =	sld [smem:$0x3FD9]  }
0x89: {  	s3 =	sld [smem:$0x3FFE];
	_ =	sdelay $0x1  }
0x8a: {  	s1 =	srdreg.scid  }
0x8b: {  	s0 =	sand.u32 $0x1, s1  }
0x8c: {  	s14 =	sshll.u32 s0, $0xA;
	s2 =	sadd.s32 s3, s2  }
0x8d: {  	s2 =	sadd.s32 s2, s14  }
0x8e: {  	[smem:$0x3FC2] =	sst s2  }
0x8f: {  	_ = 	snop  }
0x90: {  	s2 =	sld [smem:$0x3FD0];
	_ =	sdelay $0x2  }
0x91: {  	s15 =	simm.s32 $0xA;
	s4 =	simm.s32 $0x10  }
0x92: {  	[smem:s4], [sflag:s15] =	dma.local [hbm:s2], $0x1  }
0x93: {  	_ =	swait.eq [sflag:s15], $0x1  }
0x94: {  	[sflag:s15] =	ssyncset.done $0x0  }
0x95: {  	s16 =	sld [smem:$0x10];
	[sflag:s15] =	ssyncadd.s32 $0xFFFFFFFF  }
0x96: {  	s17 =	sld [smem:$0x11];
	(tm) =	ssettm $0x1  }
0x97: {  	s18 =	sld [smem:$0x3FFB];
	_ =	sdelay $0x3  }
0x98: {  	_ =	strace s18  }
0x99: {  	s4 =	sld [smem:$0x3FFC];
	_ =	sdelay $0x3  }
0x9a: {  	_ =	strace s4  }
0x9b: {  	s4 =	sld [smem:$0x3FFD];
	_ =	sdelay $0x3  }
0x9c: {  	_ =	strace s4  }
0x9d: {  	_ =	strace $0x8FFFFFFF  }
0x9e: {  	s19 =	sld [smem:$0x3FDB];
	_ =	sdelay $0x1  }
0x9f: {  	s5 =	simm.s32 $_scs_section_size  }
0xa0: {  	s6 =	simm.s32 $_size__tile_overlayer_lowered;
	s7 =	simm.s32 $_tile_overlayer_lowered  }
0xa1: {  	s22 =	simm.s32 $0x1BFF;
	s21 =	sshll.u32 s7, $0x1;
	s4 =	sadd.s32 s5, s19  }
0xa2: {  	s8 =	simm.s32 $0x0;
	s20 =	sshll.u32 s6, $0x1;
	s6 =	sadd.s32 s21, s4  }
0xa3: {  	[timem:s8], [sflag:s22] =	dma.local [hbm:s6], s20  }
0xa4: {  	_ =	swait.ge [sflag:s22], s20  }
0xa5: {  	s5 =	ssub.s32 $0x0, s20;
	[sflag:s22] =	ssyncset.done $0x0  }
0xa6: {  	[sflag:s22] =	ssyncadd.s32 s5;
	_ =	sdelay $0x1  }
0xa7: {  	s23 =	simm.s32 $0x1B8B  }
0xa8: {  	_ =	swait.ge [sflag:s23], $0x1  }
0xa9: {  	[sflag:s23] =	ssyncset.done $0x0  }
0xaa: {  	s25 =	simm.s32 $0x1B8E;
	s24 =	sld [smem:$0x3FFE];
	[sflag:s23] =	ssyncadd.s32 $0xFFFFFFFF  }
0xab: {  	s26 =	simm.s32 $execute0_lowered;
	[smem:$0x3FD2] =	sst s25  }
0xac: {  	s6 =	sshll.u32 s26, $0x1;
	_ =	strace $0x80000049;
	[dreg:$0x1] =	wrdreg $0xFFFFFFFF  }
0xad: {  	s28 =	simm.s32 $_size_execute0_lowered;
	s4 =	sadd.s32 s4, s6;
	[dreg:$0x0] =	wrdreg $0x0  }
0xae: {  	s6 =	sshll.u32 s28, $0x1;
	[dreg:$0x2] =	wrdreg s4  }
0xaf: {  	[dreg:$0x3] =	wrdreg s6  }
0xb0: {  	[dreg:$0x4] =	wrdreg $0xC0  }
0xb1: {  	_ =	task [dreg:s8], $0x5FFFF  }
0xb2: {  	[dreg:$0x1] =	wrdreg $0xFFFFFFFF  }
0xb3: {  	[dreg:$0x0] =	wrdreg $0x60  }
0xb4: {  	[dreg:$0x2] =	wrdreg s17  }
0xb5: {  	[dreg:$0x3] =	wrdreg s24  }
0xb6: {  	[dreg:$0x4] =	wrdreg s16  }
0xb7: {  	[dreg:$0x5] =	wrdreg $0x90000  }
0xb8: {  	[dreg:$0x6] =	wrdreg $0x9  }
0xb9: {  	_ =	task.clear_ibuf [dreg:s8], $0x7FFFF;
	_ =	strace $0x90000049  }
0xba: {  	s29 =	simm.s32 $0x9;
	_ =	strace $0x8000004B  }
0xbb: {  	_ =	swait.ge [sflag:s29], $0x1  }
0xbc: {  	[sflag:s29] =	ssyncadd.s32 $0xFFFFFFFF  }
0xbd: {  	_ =	strace $0x9000004B  }
0xbe: {  	_ =	sfence  }
0xbf: {  	s30 =	sld [smem:$0x0];
	_ =	sdelay $0x2  }
0xc0: {  	s31 =	sshll.u32 s1, $0xD;
	s1 =	sshrl.u32 s1, $0x2  }
0xc1: {  	s3 =	sand.u32 $0x4000, s31;
	s1 =	sadd.s32 s1, s30  }
0xc2: {  	s0 =	sor.u32 s3, s0;
	s1 =	sshll.u32 s1, $0x11  }
0xc3: {  	s0 =	sor.u32 s1, s0  }
0xc4: {  	s0 =	sadd.s32 $0x8F2B, s0  }
0xc5: {  	[sflag:s0] =	ssyncadd.remote.s32 $0x1  }
0xc6: {  	_ =	sfence.sel $0xFFFF  }
0xc7: {  	[dreg:$0x0] =	wrdreg $0xFFFFFFFF;
	(pc) =	sbr.abs _section_cstart, $3  }
0xc8: {  	[dreg:$0x1] =	wrdreg $0xFFFFFFFF  }
0xc9: {  	_ =	task.clear_ibuf [dreg:s8], $0x2FFFF;
	_ =	strace $0x9FFFFFFF  }
0xca: {  	(tm) =	ssettm $0x7FFFFFFF  }
0xcb: {  	_ =	shalt  }
tec
execute0_lowered:
.L_overlay_start_1:
0x0: {  	(tag) =	ssettag $0x1  }
0x1: {  	s0 =	rddreg [dreg:$0x0]  }
0x2: {  	s5 =	rddreg [dreg:$0x1]  }
0x3: {  	s7 =	rddreg [dreg:$0x2]  }
0x4: {  	s1 =	srdreg.scid;
	s3 =	rddreg [dreg:$0x3];
	s4 =	simm.s32 $0x0  }
0x5: {  	s28 =	simm.s32 $0x0;
	s6 =	sand.u32 $0x1, s1;
	s1 =	stileid.u32  }
0x6: {  	[smem:$0x7FF] =	sst s4;
	s18 =	sadd.s32 $0x2600, s5;
	s9 =	smul.u32 $0x50000, s1  }
0x7: {  	s2 =	sshll.u32 s6, $0x4;
	_ =	strace $0x8000004A;
	s16 =	smul.u32 $0x140000, s6  }
0x8: {  	s6 =	ssub.s32 $0x2, s6;
	s17 =	smul.u32 $0x14000, s1;
	s8 =	sor.u32 s1, s2  }
0x9: {  	s22 =	sshrl.u32 s6, $0x1;
	s8 =	smul.u32 $0x500, s8;
	s9 =	sshrl.u32 s9, $0x2  }
0xa: {  	s11 =	ssub.s32 s6, s22;
	s23 =	sadd.s32 s16, s17;
	s15 =	sadd.s32 $0x4000, s17  }
0xb: {  	s19 =	sadd.s32 $0x8000, s17;
	s26 =	sadd.s32 $0xC000, s17;
	s24 =	sshrl.u32 s23, $0x3  }
0xc: {  	s13 =	sadd.s32 s16, s15;
	s20 =	sadd.s32 s16, s19;
	s22 =	sadd.s32 s15, s3  }
0xd: {  	s21 =	sadd.s32 s16, s26;
	s23 =	sadd.s32 $0x10000, s17;
	s10 =	sadd.s32 s8, s5  }
0xe: {  	s5 =	sadd.s32 s9, s3;
	s7 =	sadd.s32 s7, s8;
	s8 =	sadd.s32 s18, s24  }
0xf: {  	s9 =	smax.u32 s11, $0x1;
	s14 =	sshrl.u32 s13, $0x3;
	s25 =	sshrl.u32 s20, $0x3  }
0x10: {  	s24 =	sadd.s32 s19, s3;
	s29 =	sshrl.u32 s21, $0x3;
	s30 =	sadd.s32 s16, s23  }
0x11: {  	s19 =	simm.s32 $0x2;
	s20 =	simm.s32 $0x2800;
	s21 =	simm.s32 $0x80  }
0x12: {  	s22 =	sshrl.u32 s22, $0x3;
	s6 =	sadd.s32 $0x52600, s10;
	s10 =	sadd.s32 $0x4000, s5  }
0x13: {  	s11 =	sadd.s32 $0x8000, s5;
	s12 =	sadd.s32 $0xC000, s5;
	s13 =	sadd.s32 $0x10000, s5  }
0x14: {  	s14 =	sadd.s32 s18, s14;
	s15 =	sadd.s32 s18, s25;
	s16 =	sadd.s32 s18, s29  }
0x15: {  	s25 =	sadd.s32 s26, s3;
	s31 =	sshrl.u32 s30, $0x3;
	s26 =	sadd.s32 s23, s3  }
0x16: {  	s23 =	sshrl.u32 s24, $0x3;
	s17 =	sadd.s32 s18, s31;
	s18 =	simm.s32 $0x5000  }
0x17: {  	v0 =	vimm.f32 $0.0e+00;
	s24 =	sshrl.u32 s25, $0x3;
	s25 =	sshrl.u32 s26, $0x3;
	s26 =	simm.s32 $0x1  }
.LBB2_1:
0x18: {  	s29 =	sand.u32 $0xFE00, s4  }
0x19: {  	s30 =	sand.u32 $0x70, s4;
	s31 =	sshrl.u32 s29, $0x2  }
0x1a: {  	s29 =	simm.s32 $0x40;
	s31 =	sor.u32 s30, s31;
	s30 =	simm.s32 $0x0  }
.LBB2_2:
0x1b: {  	p0 =	sne.s32 s29, $0xFFC0  }
0x1c: {  	[tilespmem:s31+$0x5000] =	vst v0;
	s30 =	sadd.s32 $0x10, s30;
	s31 =	smov.u32 s29;
	s29 =	sadd.s32 $0x40, s29  }
.Ltmp0:
0x1d: {  	(pc) =	sbr.rel @p0 .LBB2_2-.Ltmp0, $4  }
0x1e: {  	_ = 	snop  }
0x1f: {  	s31 =	sand.u32 $0xFE00, s31  }
0x20: {  	s2 =	sand.u32 $0x70, s30;
	s31 =	sshrl.u32 s31, $0x2  }
0x21: {  	s31 =	sor.u32 s2, s31  }
0x22: {  	[tilespmem:s31+$0x5000] =	vst v0  }
0x23: {  	[spmem:s5] =	stream.linear.scatter [tilespmem:s18], [sflag:$0x2], $0x4000, $0x38;
	[tilespmem:$0x1D000] =	vst v63  }
0x24: {  	_ =	swait.ge [sflag:s19], $0x4000  }
0x25: {  	[sflag:s19] =	ssyncset.done $0x0  }
0x26: {  	[sflag:s19] =	ssyncadd.s32 $0xFFFFC000  }
0x27: {  	[spmem:s10] =	stream.linear.scatter [tilespmem:s18], [sflag:$0x2], $0x4000, $0x38;
	[tilespmem:$0x1D000] =	vst v63  }
0x28: {  	_ =	swait.ge [sflag:s19], $0x4000  }
0x29: {  	[sflag:s19] =	ssyncset.done $0x0  }
0x2a: {  	[sflag:s19] =	ssyncadd.s32 $0xFFFFC000  }
0x2b: {  	[spmem:s11] =	stream.linear.scatter [tilespmem:s18], [sflag:$0x2], $0x4000, $0x38;
	[tilespmem:$0x1D000] =	vst v63  }
0x2c: {  	_ =	swait.ge [sflag:s19], $0x4000  }
0x2d: {  	[sflag:s19] =	ssyncset.done $0x0  }
0x2e: {  	[sflag:s19] =	ssyncadd.s32 $0xFFFFC000  }
0x2f: {  	[spmem:s12] =	stream.linear.scatter [tilespmem:s18], [sflag:$0x2], $0x4000, $0x38;
	[tilespmem:$0x1D000] =	vst v63  }
0x30: {  	_ =	swait.ge [sflag:s19], $0x4000  }
0x31: {  	[sflag:s19] =	ssyncset.done $0x0  }
0x32: {  	[sflag:s19] =	ssyncadd.s32 $0xFFFFC000  }
0x33: {  	[spmem:s13] =	stream.linear.scatter [tilespmem:s18], [sflag:$0x2], $0x4000, $0x38;
	[tilespmem:$0x1D000] =	vst v63  }
0x34: {  	_ =	swait.ge [sflag:s19], $0x4000  }
0x35: {  	[sflag:s19] =	ssyncset.done $0x0  }
0x36: {  	s2 =	simm.s32 $0x0;
	[sflag:s19] =	ssyncadd.s32 $0xFFFFC000  }
0x37: {  	[tilespmem:s2], [sflag:$0x2] =	stream.linear.gather [hbm4b:s6+s2], $0x2780, $0x38;
	[tilespmem:$0x1D000] =	vst v63  }
0x38: {  	_ =	swait.ge [sflag:s19], $0x2780  }
0x39: {  	[sflag:s19] =	ssyncset.done $0x0  }
0x3a: {  	[sflag:s19] =	ssyncadd.s32 $0xFFFFD880  }
0x3b: {  	[tilespmem:s20], [sflag:$0x2] =	stream.linear.gather [hbm4b:s7+s2], $0x2780, $0x38;
	[tilespmem:$0x1D000] =	vst v63  }
0x3c: {  	_ =	swait.ge [sflag:s19], $0x2780  }
0x3d: {  	[sflag:s19] =	ssyncset.done $0x0  }
0x3e: {  	[sflag:s19] =	ssyncadd.s32 $0xFFFFD880  }
0x3f: {  	s31 =	simm.s32 $0x0;
	[bflag:$0x0] =	sbarrier.arrive $0xFFFF  }
0x40: {  	[tilespmem:s18], [sflag:$0x1] =	stream.indirect.gather [hbm4b:s0+s21], $0x80, s31, s21, $0xb8;
	[tilespmem:$0x1D000] =	vst v63  }
0x41: {  	_ =	swait.ge [sflag:s26], $0x4000  }
0x42: {  	[sflag:s26] =	ssyncset.done $0x0  }
0x43: {  	s31 =	simm.s32 $0x2800;
	[sflag:s26] =	ssyncadd.s32 $0xFFFFC000  }
0x44: {  	[spmem:s3] =	stream.indirect.scatter.add.f32 [tilespmem:s18], [sflag:$0x2], $0x80, s31, s21, $0xb8;
	[tilespmem:$0x1D000] =	vst v63  }
0x45: {  	_ =	swait.ge [sflag:s19], $0x4000  }
0x46: {  	s29 =	simm.s32 $0x200;
	s30 =	simm.s32 $0x400;
	[sflag:s19] =	ssyncset.done $0x0  }
.LBB2_4:
0x47: {  	s2 =	sshra.s32 s29, $0x2  }
0x48: {  	[sflag:s19] =	ssyncadd.s32 $0xFFFFC000;
	s29 =	smov.u32 s30;
	s31 =	sadd.s32 $0x200, s30  }
0x49: {  	[tilespmem:s18], [sflag:$0x1] =	stream.indirect.gather [hbm4b:s0+s21], $0x80, s2, s21, $0xb8;
	[tilespmem:$0x1D000] =	vst v63  }
0x4a: {  	p0 =	sne.s32 s30, $0x9C00;
	_ =	swait.ge [sflag:s26], $0x4000  }
.Ltmp1:
0x4b: {  	[sflag:s26] =	ssyncset.done $0x0;
	(pc) =	sbr.rel @p0 .LBB2_4-.Ltmp1, $4  }
0x4c: {  	s2 =	sadd.s32 $0x2800, s2;
	[sflag:s26] =	ssyncadd.s32 $0xFFFFC000  }
0x4d: {  	[spmem:s3] =	stream.indirect.scatter.add.f32 [tilespmem:s18], [sflag:$0x2], $0x80, s2, s21, $0xb8;
	[tilespmem:$0x1D000] =	vst v63  }
0x4e: {  	_ =	swait.ge [sflag:s19], $0x4000  }
0x4f: {  	s30 =	smov.u32 s31;
	[sflag:s19] =	ssyncset.done $0x0  }
0x50: {  	s2 =	sshra.s32 s29, $0x2;
	[sflag:s19] =	ssyncadd.s32 $0xFFFFC000  }
0x51: {  	[tilespmem:s18], [sflag:$0x1] =	stream.indirect.gather [hbm4b:s0+s21], $0x80, s2, s21, $0xb8;
	[tilespmem:$0x1D000] =	vst v63  }
0x52: {  	_ =	swait.ge [sflag:s26], $0x4000  }
0x53: {  	[sflag:s26] =	ssyncset.done $0x0  }
0x54: {  	s2 =	sadd.s32 $0x2800, s2;
	[sflag:s26] =	ssyncadd.s32 $0xFFFFC000  }
0x55: {  	[spmem:s3] =	stream.indirect.scatter.add.f32 [tilespmem:s18], [sflag:$0x2], $0x80, s2, s21, $0xb8;
	[tilespmem:$0x1D000] =	vst v63  }
0x56: {  	_ =	swait.ge [sflag:s19], $0x4000  }
0x57: {  	[sflag:s19] =	ssyncset.done $0x0  }
0x58: {  	s30 =	sshll.u32 s1, $0x6;
	[sflag:s19] =	ssyncadd.s32 $0xFFFFC000  }
0x59: {  	s31 =	sshrl.u32 s5, $0x3;
	s2 =	sor.u32 $0x1C02, s30;
	[bflag:$0x0] =	sbarrier.arrive $0xFFFF  }
0x5a: {  	[hbm:s8], [sflag:s2] =	dma.local [spmem:s31], $0x800  }
0x5b: {  	_ =	swait.ge [sflag:s19], $0x800  }
0x5c: {  	[sflag:s19] =	ssyncset.done $0x0  }
0x5d: {  	[sflag:s19] =	ssyncadd.s32 $0xFFFFF800  }
0x5e: {  	[hbm:s14], [sflag:s2] =	dma.local [spmem:s22], $0x800  }
0x5f: {  	_ =	swait.ge [sflag:s19], $0x800  }
0x60: {  	[sflag:s19] =	ssyncset.done $0x0  }
0x61: {  	[sflag:s19] =	ssyncadd.s32 $0xFFFFF800  }
0x62: {  	[hbm:s15], [sflag:s2] =	dma.local [spmem:s23], $0x800  }
0x63: {  	_ =	swait.ge [sflag:s19], $0x800  }
0x64: {  	[sflag:s19] =	ssyncset.done $0x0  }
0x65: {  	[sflag:s19] =	ssyncadd.s32 $0xFFFFF800  }
0x66: {  	[hbm:s16], [sflag:s2] =	dma.local [spmem:s24], $0x800  }
0x67: {  	s28 =	sadd.s32 $0x1, s28;
	_ =	swait.ge [sflag:s19], $0x800  }
0x68: {  	p0 =	sne.s32 s28, s9;
	[sflag:s19] =	ssyncset.done $0x0  }
.Ltmp2:
0x69: {  	[sflag:s19] =	ssyncadd.s32 $0xFFFFF800;
	(pc) =	sbr.rel @p0 .LBB2_1-.Ltmp2, $4  }
0x6a: {  	[hbm:s17], [sflag:s2] =	dma.local [spmem:s25], $0x800  }
0x6b: {  	_ =	swait.ge [sflag:s19], $0x800  }
0x6c: {  	[sflag:s19] =	ssyncset.done $0x0  }
0x6d: {  	[sflag:s19] =	ssyncadd.s32 $0xFFFFF800  }
0x6e: {  	_ =	sfence.sel $0x180000  }
0x6f: {  	[bflag:$0x0] =	sbarrier.arrive $0xFFFF  }
0x70: {  	_ =	strace $0x9000004A  }
0x71: {  	[bflag:$0x2] =	sbarrier.arrive $0xFFFF  }
0x72: {  	p0 =	sne.s32 s1, $0x0;
	s0 =	rddreg [dreg:$0x4]  }
0x73: {  	s0 =	sadd.s32 @!p0 $0x100000, s0  }
0x74: {  	[sflag:s0] =	ssyncadd.tile.s32 @!p0 $0x1;
	_ =	shalt  }
.Lfunc_end2:
_tile_overlayer_lowered:
.L_overlay_start_2:
0x75: {  	(tag) =	ssettag $0x2  }
0x76: {  	s0 =	rddreg [dreg:$0x0];
	s2 =	stileid.u32  }
0x77: {  	s1 =	rddreg [dreg:$0x1];
	p0 =	sne.s32 s2, $0x0  }
0x78: {  	s3 =	rddreg [dreg:$0x2];
	[bflag:$0x3] =	sbarrier.arrive $0xFFFF;
	s2 =	simm.s32 @!p0 $0x1C02  }
0x79: {  	[timem:s3], [sflag:s2] =	dma.local @!p0 [hbm:s0], s1  }
0x7a: {  	s0 =	simm.s32 @!p0 $0x2  }
0x7b: {  	_ =	swait.ge @!p0 [sflag:s0], s1  }
0x7c: {  	s1 =	ssub.s32 @!p0 $0x0, s1;
	[sflag:s0] =	ssyncset.done @!p0 $0x0  }
0x7d: {  	[sflag:s0] =	ssyncadd.s32 @!p0 s1  }
0x7e: {  	[bflag:$0x3] =	sbarrier.arrive $0xFFFF  }
0x7f: {  	_ =	shalt  }

// kernel: kernel.15.cloned.1.call-start
scs
__scs_entry_jumppad:
0x0: {  	(pc) =	sbr.rel $0x88, $3  }
0x1: {  	(tag) =	ssettag $0x0;
	lr =	simm.s32 $0x1  }
0x2: {  	[smem:$0x3F9B] =	sst lr;
	_ =	strace $0xD0000000  }
0x3: {  	_ = 	snop  }
0x4: {  	_ = 	snop  }
0x5: {  	_ = 	snop  }
0x6: {  	_ = 	snop  }
0x7: {  	_ = 	snop  }
__scs_overlays_trampoline_lowered:
0x8: {  	[smem:$0x3FAA] =	sst s0  }
0x9: {  	[smem:$0x3FAB] =	sst s1  }
0xa: {  	[smem:$0x3FAC] =	sst s2  }
0xb: {  	[smem:$0x3FAD] =	sst s3  }
0xc: {  	[smem:$0x3FAE] =	sst s4  }
0xd: {  	[smem:$0x3FAF] =	sst s5  }
0xe: {  	[smem:$0x3FB0] =	sst s6  }
0xf: {  	[smem:$0x3FB1] =	sst s7  }
0x10: {  	[smem:$0x3FB2] =	sst s8  }
0x11: {  	[smem:$0x3FB3] =	sst s9;
	s0 =	simm.s32 @!p0 $0x0  }
0x12: {  	s1 =	sld [smem:$0x3F99];
	s0 =	simm.s32 @p0 $0x1  }
0x13: {  	[smem:$0x3FB4] =	sst s0;
	s0 =	simm.s32 @!p1 $0x0  }
0x14: {  	s2 =	sld [smem:$0x3F98];
	s0 =	simm.s32 @p1 $0x1  }
0x15: {  	[smem:$0x3FB5] =	sst s0;
	s0 =	simm.s32 @!p2 $0x0  }
0x16: {  	s3 =	sld [smem:$0x3FDB];
	s0 =	simm.s32 @p2 $0x1  }
0x17: {  	s4 =	simm.s32 $0x1BF5;
	[smem:$0x3FB7] =	sst s0  }
0x18: {  	s0 =	sld [smem:$0x3F9A];
	_ =	swait.ge [sflag:s4], $0x0  }
0x19: {  	s7 =	sld [smem:$0x3F9B]  }
0x1a: {  	s8 =	sadd.s32 $0xFFFFE003, lr  }
0x1b: {  	s9 =	sadd.s32 $0xFFFFFEF7, lr;
	s5 =	simm.s32 $0xFFFFFFFF;
	p2 =	slt.u32 s8, $0xFFFFF086  }
0x1c: {  	p1 =	slt.u32 s9, $0xF7A;
	s5 =	simm.s32 @!p2 $0x0  }
0x1d: {  	s5 =	simm.s32 @p1 $0x1;
	p0 =	seq.s32 s7, s2  }
0x1e: {  	s7 =	smul.u32 @!p0 $0xF7A, s2;
	p2 =	seq.s32 @!p0 s5, $0x0  }
0x1f: {  	s9 =	smul.u32 $0xF7A, s1;
	s8 =	simm.s32 @!p0 $0x1BF5;
	p2 =	por !p2, p0  }
0x20: {  	[sflag:s8] =	ssyncset.s32 @!p0 $0xFFFFF086;
	s6 =	sadd.s32 @!p0 s3, s7;
	s7 =	simm.s32 @!p0 $0x108  }
0x21: {  	s3 =	sadd.s32 s3, s9;
	s6 =	sadd.s32 @!p0 $0x88, s6;
	s7 =	simm.s32 @p2 $0x1082  }
0x22: {  	[simem:s7], [sflag:s8] =	dma.local @!p0 [hbm:s6], $0xF7A  }
0x23: {  	s9 =	sor.u32 $0xD0000000, s2;
	s6 =	simm.s32 $0x108;
	_ =	swait.ge @!p0 [sflag:s8], $0x0  }
0x24: {  	s3 =	sadd.s32 $0x88, s3;
	s6 =	simm.s32 @!p1 $0x1082;
	[sflag:s4] =	ssyncset.s32 $0xFFFFF086  }
0x25: {  	[simem:s6], [sflag:s4] =	dma.local [hbm:s3], $0xF7A  }
0x26: {  	[smem:$0x3F9B] =	sst s1;
	(tag) =	ssettag s2;
	_ =	strace s9  }
0x27: {  	s1 =	sld [smem:$0x3FAB]  }
0x28: {  	s2 =	sld [smem:$0x3FAC]  }
0x29: {  	s4 =	sld [smem:$0x3FAE]  }
0x2a: {  	p0 =	seq.s32 s5, $0x0;
	s5 =	sld [smem:$0x3FAF]  }
0x2b: {  	s6 =	sld [smem:$0x3FB0]  }
0x2c: {  	s7 =	sld [smem:$0x3FB1]  }
0x2d: {  	s3 =	simm.s32 $0x108;
	s8 =	sld [smem:$0x3FB2]  }
0x2e: {  	s3 =	simm.s32 @!p0 $0x1082;
	s9 =	sld [smem:$0x3FB3]  }
0x2f: {  	lr =	sadd.s32 s0, s3;
	s0 =	sld [smem:$0x3FAA]  }
0x30: {  	s3 =	sld [smem:$0x3FAD]  }
0x31: {  	[smem:$0x3FB6] =	sst s10  }
0x32: {  	s10 =	sld [smem:$0x3FB4];
	_ =	sdelay $0x3  }
0x33: {  	p0 =	seq.s32 s10, $0x1;
	s10 =	sld [smem:$0x3FB6];
	_ =	sdelay $0x3  }
0x34: {  	[smem:$0x3FB6] =	sst s10  }
0x35: {  	s10 =	sld [smem:$0x3FB5];
	_ =	sdelay $0x3  }
0x36: {  	p1 =	seq.s32 s10, $0x1;
	s10 =	sld [smem:$0x3FB6];
	_ =	sdelay $0x3  }
0x37: {  	[smem:$0x3FB6] =	sst s10  }
0x38: {  	s10 =	sld [smem:$0x3FB7]  }
0x39: {  	_ = 	snop;
	(pc) =	sbr.ind lr, $3  }
0x3a: {  	_ = 	snop  }
0x3b: {  	_ = 	snop  }
0x3c: {  	p2 =	seq.s32 s10, $0x1;
	s10 =	sld [smem:$0x3FB6]  }
0x3d: {  	_ =	shalt  }
0x3e: {  	_ =	shalt  }
0x3f: {  	_ =	shalt  }
0x40: {  	_ =	shalt  }
0x41: {  	_ =	shalt  }
0x42: {  	_ =	shalt  }
0x43: {  	_ =	shalt  }
0x44: {  	_ =	shalt  }
0x45: {  	_ =	shalt  }
0x46: {  	_ =	shalt  }
0x47: {  	_ =	shalt  }
0x48: {  	_ =	shalt  }
0x49: {  	_ =	shalt  }
0x4a: {  	_ =	shalt  }
0x4b: {  	_ =	shalt  }
0x4c: {  	_ =	shalt  }
0x4d: {  	_ =	shalt  }
0x4e: {  	_ =	shalt  }
0x4f: {  	_ =	shalt  }
0x50: {  	_ =	shalt  }
0x51: {  	_ =	shalt  }
0x52: {  	_ =	shalt  }
0x53: {  	_ =	shalt  }
0x54: {  	_ =	shalt  }
0x55: {  	_ =	shalt  }
0x56: {  	_ =	shalt  }
0x57: {  	_ =	shalt  }
0x58: {  	_ =	shalt  }
0x59: {  	_ =	shalt  }
0x5a: {  	_ =	shalt  }
0x5b: {  	_ =	shalt  }
0x5c: {  	_ =	shalt  }
0x5d: {  	_ =	shalt  }
0x5e: {  	_ =	shalt  }
0x5f: {  	_ =	shalt  }
0x60: {  	_ =	shalt  }
0x61: {  	_ =	shalt  }
0x62: {  	_ =	shalt  }
0x63: {  	_ =	shalt  }
0x64: {  	_ =	shalt  }
0x65: {  	_ =	shalt  }
0x66: {  	_ =	shalt  }
0x67: {  	_ =	shalt  }
0x68: {  	_ =	shalt  }
0x69: {  	_ =	shalt  }
0x6a: {  	_ =	shalt  }
0x6b: {  	_ =	shalt  }
0x6c: {  	_ =	shalt  }
0x6d: {  	_ =	shalt  }
0x6e: {  	_ =	shalt  }
0x6f: {  	_ =	shalt  }
0x70: {  	_ =	shalt  }
0x71: {  	_ =	shalt  }
0x72: {  	_ =	shalt  }
0x73: {  	_ =	shalt  }
0x74: {  	_ =	shalt  }
0x75: {  	_ =	shalt  }
0x76: {  	_ =	shalt  }
0x77: {  	_ =	shalt  }
0x78: {  	_ =	shalt  }
0x79: {  	_ =	shalt  }
0x7a: {  	_ =	shalt  }
0x7b: {  	_ =	shalt  }
0x7c: {  	_ =	shalt  }
0x7d: {  	_ =	shalt  }
0x7e: {  	_ =	shalt  }
0x7f: {  	_ =	shalt  }
0x80: {  	_ =	shalt  }
0x81: {  	_ =	shalt  }
0x82: {  	_ =	shalt  }
0x83: {  	_ =	shalt  }
0x84: {  	_ =	shalt  }
0x85: {  	_ =	shalt  }
0x86: {  	_ =	shalt  }
0x87: {  	_ =	shalt  }
.Lfunc_end0:
.L_simem_size_0:
called_computation.2_lowered:
.L_overlay_start_0:
0x88: {  	s2 =	sld [smem:$0x3FD9]  }
0x89: {  	s3 =	sld [smem:$0x3FFE];
	_ =	sdelay $0x1  }
0x8a: {  	s1 =	srdreg.scid  }
0x8b: {  	s0 =	sand.u32 $0x1, s1  }
0x8c: {  	s14 =	sshll.u32 s0, $0xA;
	s2 =	sadd.s32 s3, s2  }
0x8d: {  	s2 =	sadd.s32 s2, s14  }
0x8e: {  	[smem:$0x3FC2] =	sst s2  }
0x8f: {  	_ = 	snop  }
0x90: {  	s2 =	sld [smem:$0x3FD0];
	_ =	sdelay $0x2  }
0x91: {  	s15 =	simm.s32 $0xA;
	s4 =	simm.s32 $0x10  }
0x92: {  	[smem:s4], [sflag:s15] =	dma.local [hbm:s2], $0x1  }
0x93: {  	_ =	swait.eq [sflag:s15], $0x1  }
0x94: {  	[sflag:s15] =	ssyncset.done $0x0  }
0x95: {  	[sflag:s15] =	ssyncadd.s32 $0xFFFFFFFF  }
0x96: {  	s16 =	sld [smem:$0x10];
	(tm) =	ssettm $0x1  }
0x97: {  	s17 =	sld [smem:$0x3FFB];
	_ =	sdelay $0x3  }
0x98: {  	_ =	strace s17  }
0x99: {  	s3 =	sld [smem:$0x3FFC];
	_ =	sdelay $0x3  }
0x9a: {  	_ =	strace s3  }
0x9b: {  	s3 =	sld [smem:$0x3FFD];
	_ =	sdelay $0x3  }
0x9c: {  	_ =	strace s3  }
0x9d: {  	_ =	strace $0x8FFFFFFF  }
0x9e: {  	s18 =	sld [smem:$0x3FDB];
	_ =	sdelay $0x1  }
0x9f: {  	s19 =	simm.s32 $_scs_section_size  }
0xa0: {  	s5 =	simm.s32 $_size__tile_overlayer_lowered;
	s6 =	simm.s32 $_tile_overlayer_lowered  }
0xa1: {  	s22 =	simm.s32 $0x1BFF;
	s21 =	sshll.u32 s6, $0x1;
	s3 =	sadd.s32 s19, s18  }
0xa2: {  	s7 =	simm.s32 $0x0;
	s20 =	sshll.u32 s5, $0x1;
	s5 =	sadd.s32 s21, s3  }
0xa3: {  	[timem:s7], [sflag:s22] =	dma.local [hbm:s5], s20  }
0xa4: {  	_ =	swait.ge [sflag:s22], s20  }
0xa5: {  	s4 =	ssub.s32 $0x0, s20;
	[sflag:s22] =	ssyncset.done $0x0  }
0xa6: {  	[sflag:s22] =	ssyncadd.s32 s4;
	_ =	sdelay $0x1  }
0xa7: {  	s23 =	simm.s32 $0x1B8B  }
0xa8: {  	_ =	swait.ge [sflag:s23], $0x1  }
0xa9: {  	[sflag:s23] =	ssyncset.done $0x0  }
0xaa: {  	s25 =	simm.s32 $0x1B8E;
	s24 =	sld [smem:$0x3FFE];
	[sflag:s23] =	ssyncadd.s32 $0xFFFFFFFF  }
0xab: {  	s26 =	simm.s32 $execute0_lowered;
	[smem:$0x3FD2] =	sst s25  }
0xac: {  	s5 =	sshll.u32 s26, $0x1;
	_ =	strace $0x8000004C;
	[dreg:$0x1] =	wrdreg $0xFFFFFFFF  }
0xad: {  	s28 =	simm.s32 $_size_execute0_lowered;
	s3 =	sadd.s32 s3, s5;
	[dreg:$0x0] =	wrdreg $0x0  }
0xae: {  	s5 =	sshll.u32 s28, $0x1;
	[dreg:$0x2] =	wrdreg s3  }
0xaf: {  	[dreg:$0x3] =	wrdreg s5  }
0xb0: {  	[dreg:$0x4] =	wrdreg $0xC0  }
0xb1: {  	_ =	task [dreg:s7], $0x5FFFF  }
0xb2: {  	[dreg:$0x1] =	wrdreg $0xFFFFFFFF  }
0xb3: {  	[dreg:$0x0] =	wrdreg $0x60  }
0xb4: {  	[dreg:$0x2] =	wrdreg s24  }
0xb5: {  	[dreg:$0x3] =	wrdreg s16  }
0xb6: {  	[dreg:$0x4] =	wrdreg $0x90000  }
0xb7: {  	[dreg:$0x5] =	wrdreg $0x9  }
0xb8: {  	_ =	task.clear_ibuf [dreg:s7], $0x6FFFF;
	_ =	strace $0x9000004C  }
0xb9: {  	s29 =	simm.s32 $0x9;
	_ =	strace $0x8000004E  }
0xba: {  	_ =	swait.ge [sflag:s29], $0x1  }
0xbb: {  	[sflag:s29] =	ssyncadd.s32 $0xFFFFFFFF  }
0xbc: {  	_ =	strace $0x9000004E  }
0xbd: {  	_ =	sfence  }
0xbe: {  	s30 =	sld [smem:$0x0];
	_ =	sdelay $0x2  }
0xbf: {  	s31 =	sshll.u32 s1, $0xD;
	s1 =	sshrl.u32 s1, $0x2  }
0xc0: {  	s3 =	sand.u32 $0x4000, s31;
	s1 =	sadd.s32 s1, s30  }
0xc1: {  	s0 =	sor.u32 s3, s0;
	s1 =	sshll.u32 s1, $0x11  }
0xc2: {  	s0 =	sor.u32 s1, s0  }
0xc3: {  	s0 =	sadd.s32 $0x8F2B, s0  }
0xc4: {  	[sflag:s0] =	ssyncadd.remote.s32 $0x1  }
0xc5: {  	_ =	sfence.sel $0xFFFF  }
0xc6: {  	[dreg:$0x0] =	wrdreg $0xFFFFFFFF;
	(pc) =	sbr.abs _section_cstart, $3  }
0xc7: {  	[dreg:$0x1] =	wrdreg $0xFFFFFFFF  }
0xc8: {  	_ =	task.clear_ibuf [dreg:s7], $0x2FFFF;
	_ =	strace $0x9FFFFFFF  }
0xc9: {  	(tm) =	ssettm $0x7FFFFFFF  }
tec
execute0_lowered:
.L_overlay_start_1:
0x0: {  	(tag) =	ssettag $0x1  }
0x1: {  	s5 =	rddreg [dreg:$0x0]  }
0x2: {  	s0 =	srdreg.scid;
	s7 =	rddreg [dreg:$0x1]  }
0x3: {  	s2 =	rddreg [dreg:$0x2];
	s3 =	simm.s32 $0x0;
	s28 =	simm.s32 $0x0  }
0x4: {  	s6 =	sand.u32 $0x1, s0;
	s0 =	stileid.u32;
	[smem:$0x7FF] =	sst s3  }
0x5: {  	s18 =	sadd.s32 $0x5C800, s5;
	s1 =	sshll.u32 s6, $0x4;
	s9 =	smul.u32 $0x50000, s0  }
0x6: {  	_ =	strace $0x8000004D;
	s16 =	smul.u32 $0x140000, s6;
	s6 =	ssub.s32 $0x2, s6  }
0x7: {  	s17 =	smul.u32 $0x14000, s0;
	s4 =	sor.u32 s0, s1;
	s22 =	sshrl.u32 s6, $0x1  }
0x8: {  	s8 =	smul.u32 $0x500, s4;
	s4 =	sadd.s32 $0x2600, s5;
	s9 =	sshrl.u32 s9, $0x2  }
0x9: {  	s11 =	ssub.s32 s6, s22;
	s23 =	sadd.s32 s16, s17;
	s15 =	sadd.s32 $0x4000, s17  }
0xa: {  	s19 =	sadd.s32 $0x8000, s17;
	s26 =	sadd.s32 $0xC000, s17;
	s24 =	sshrl.u32 s23, $0x3  }
0xb: {  	s13 =	sadd.s32 s16, s15;
	s20 =	sadd.s32 s16, s19;
	s22 =	sadd.s32 s15, s2  }
0xc: {  	s21 =	sadd.s32 s16, s26;
	s23 =	sadd.s32 $0x10000, s17;
	s10 =	sadd.s32 s8, s5  }
0xd: {  	s5 =	sadd.s32 s9, s2;
	s7 =	sadd.s32 s7, s8;
	s8 =	sadd.s32 s18, s24  }
0xe: {  	s9 =	smax.u32 s11, $0x1;
	s14 =	sshrl.u32 s13, $0x3;
	s25 =	sshrl.u32 s20, $0x3  }
0xf: {  	s24 =	sadd.s32 s19, s2;
	s29 =	sshrl.u32 s21, $0x3;
	s30 =	sadd.s32 s16, s23  }
0x10: {  	s19 =	simm.s32 $0x2;
	s20 =	simm.s32 $0x2800;
	s21 =	simm.s32 $0x80  }
0x11: {  	s22 =	sshrl.u32 s22, $0x3;
	s6 =	sadd.s32 $0x52600, s10;
	s10 =	sadd.s32 $0x4000, s5  }
0x12: {  	s11 =	sadd.s32 $0x8000, s5;
	s12 =	sadd.s32 $0xC000, s5;
	s13 =	sadd.s32 $0x10000, s5  }
0x13: {  	s14 =	sadd.s32 s18, s14;
	s15 =	sadd.s32 s18, s25;
	s16 =	sadd.s32 s18, s29  }
0x14: {  	s25 =	sadd.s32 s26, s2;
	s31 =	sshrl.u32 s30, $0x3;
	s26 =	sadd.s32 s23, s2  }
0x15: {  	s23 =	sshrl.u32 s24, $0x3;
	s17 =	sadd.s32 s18, s31;
	s18 =	simm.s32 $0x5000  }
0x16: {  	v0 =	vimm.f32 $0.0e+00;
	s24 =	sshrl.u32 s25, $0x3;
	s25 =	sshrl.u32 s26, $0x3;
	s26 =	simm.s32 $0x1  }
.LBB2_1:
0x17: {  	s29 =	sand.u32 $0xFE00, s3  }
0x18: {  	s30 =	sand.u32 $0x70, s3;
	s31 =	sshrl.u32 s29, $0x2  }
0x19: {  	s29 =	simm.s32 $0x40;
	s31 =	sor.u32 s30, s31;
	s30 =	simm.s32 $0x0  }
.LBB2_2:
0x1a: {  	p0 =	sne.s32 s29, $0xFFC0  }
0x1b: {  	[tilespmem:s31+$0x5000] =	vst v0;
	s30 =	sadd.s32 $0x10, s30;
	s31 =	smov.u32 s29;
	s29 =	sadd.s32 $0x40, s29  }
.Ltmp0:
0x1c: {  	(pc) =	sbr.rel @p0 .LBB2_2-.Ltmp0, $4  }
0x1d: {  	_ = 	snop  }
0x1e: {  	s31 =	sand.u32 $0xFE00, s31  }
0x1f: {  	s1 =	sand.u32 $0x70, s30;
	s31 =	sshrl.u32 s31, $0x2  }
0x20: {  	s31 =	sor.u32 s1, s31  }
0x21: {  	[tilespmem:s31+$0x5000] =	vst v0  }
0x22: {  	[spmem:s5] =	stream.linear.scatter [tilespmem:s18], [sflag:$0x2], $0x4000, $0x38;
	[tilespmem:$0x1D000] =	vst v63  }
0x23: {  	_ =	swait.ge [sflag:s19], $0x4000  }
0x24: {  	[sflag:s19] =	ssyncset.done $0x0  }
0x25: {  	[sflag:s19] =	ssyncadd.s32 $0xFFFFC000  }
0x26: {  	[spmem:s10] =	stream.linear.scatter [tilespmem:s18], [sflag:$0x2], $0x4000, $0x38;
	[tilespmem:$0x1D000] =	vst v63  }
0x27: {  	_ =	swait.ge [sflag:s19], $0x4000  }
0x28: {  	[sflag:s19] =	ssyncset.done $0x0  }
0x29: {  	[sflag:s19] =	ssyncadd.s32 $0xFFFFC000  }
0x2a: {  	[spmem:s11] =	stream.linear.scatter [tilespmem:s18], [sflag:$0x2], $0x4000, $0x38;
	[tilespmem:$0x1D000] =	vst v63  }
0x2b: {  	_ =	swait.ge [sflag:s19], $0x4000  }
0x2c: {  	[sflag:s19] =	ssyncset.done $0x0  }
0x2d: {  	[sflag:s19] =	ssyncadd.s32 $0xFFFFC000  }
0x2e: {  	[spmem:s12] =	stream.linear.scatter [tilespmem:s18], [sflag:$0x2], $0x4000, $0x38;
	[tilespmem:$0x1D000] =	vst v63  }
0x2f: {  	_ =	swait.ge [sflag:s19], $0x4000  }
0x30: {  	[sflag:s19] =	ssyncset.done $0x0  }
0x31: {  	[sflag:s19] =	ssyncadd.s32 $0xFFFFC000  }
0x32: {  	[spmem:s13] =	stream.linear.scatter [tilespmem:s18], [sflag:$0x2], $0x4000, $0x38;
	[tilespmem:$0x1D000] =	vst v63  }
0x33: {  	_ =	swait.ge [sflag:s19], $0x4000  }
0x34: {  	[sflag:s19] =	ssyncset.done $0x0  }
0x35: {  	s1 =	simm.s32 $0x0;
	[sflag:s19] =	ssyncadd.s32 $0xFFFFC000  }
0x36: {  	[tilespmem:s1], [sflag:$0x2] =	stream.linear.gather [hbm4b:s6+s1], $0x2780, $0x38;
	[tilespmem:$0x1D000] =	vst v63  }
0x37: {  	_ =	swait.ge [sflag:s19], $0x2780  }
0x38: {  	[sflag:s19] =	ssyncset.done $0x0  }
0x39: {  	[sflag:s19] =	ssyncadd.s32 $0xFFFFD880  }
0x3a: {  	[tilespmem:s20], [sflag:$0x2] =	stream.linear.gather [hbm4b:s7+s1], $0x2780, $0x38;
	[tilespmem:$0x1D000] =	vst v63  }
0x3b: {  	_ =	swait.ge [sflag:s19], $0x2780  }
0x3c: {  	[sflag:s19] =	ssyncset.done $0x0  }
0x3d: {  	[sflag:s19] =	ssyncadd.s32 $0xFFFFD880  }
0x3e: {  	s31 =	simm.s32 $0x0;
	[bflag:$0x0] =	sbarrier.arrive $0xFFFF  }
0x3f: {  	[tilespmem:s18], [sflag:$0x1] =	stream.indirect.gather [hbm4b:s4+s21], $0x80, s31, s21, $0xb8;
	[tilespmem:$0x1D000] =	vst v63  }
0x40: {  	_ =	swait.ge [sflag:s26], $0x4000  }
0x41: {  	[sflag:s26] =	ssyncset.done $0x0  }
0x42: {  	s31 =	simm.s32 $0x2800;
	[sflag:s26] =	ssyncadd.s32 $0xFFFFC000  }
0x43: {  	[spmem:s2] =	stream.indirect.scatter.add.f32 [tilespmem:s18], [sflag:$0x2], $0x80, s31, s21, $0xb8;
	[tilespmem:$0x1D000] =	vst v63  }
0x44: {  	_ =	swait.ge [sflag:s19], $0x4000  }
0x45: {  	s29 =	simm.s32 $0x200;
	s30 =	simm.s32 $0x400;
	[sflag:s19] =	ssyncset.done $0x0  }
.LBB2_4:
0x46: {  	s1 =	sshra.s32 s29, $0x2  }
0x47: {  	[sflag:s19] =	ssyncadd.s32 $0xFFFFC000;
	s29 =	smov.u32 s30;
	s31 =	sadd.s32 $0x200, s30  }
0x48: {  	[tilespmem:s18], [sflag:$0x1] =	stream.indirect.gather [hbm4b:s4+s21], $0x80, s1, s21, $0xb8;
	[tilespmem:$0x1D000] =	vst v63  }
0x49: {  	p0 =	sne.s32 s30, $0x9C00;
	_ =	swait.ge [sflag:s26], $0x4000  }
.Ltmp1:
0x4a: {  	[sflag:s26] =	ssyncset.done $0x0;
	(pc) =	sbr.rel @p0 .LBB2_4-.Ltmp1, $4  }
0x4b: {  	s1 =	sadd.s32 $0x2800, s1;
	[sflag:s26] =	ssyncadd.s32 $0xFFFFC000  }
0x4c: {  	[spmem:s2] =	stream.indirect.scatter.add.f32 [tilespmem:s18], [sflag:$0x2], $0x80, s1, s21, $0xb8;
	[tilespmem:$0x1D000] =	vst v63  }
0x4d: {  	_ =	swait.ge [sflag:s19], $0x4000  }
0x4e: {  	s30 =	smov.u32 s31;
	[sflag:s19] =	ssyncset.done $0x0  }
0x4f: {  	s1 =	sshra.s32 s29, $0x2;
	[sflag:s19] =	ssyncadd.s32 $0xFFFFC000  }
0x50: {  	[tilespmem:s18], [sflag:$0x1] =	stream.indirect.gather [hbm4b:s4+s21], $0x80, s1, s21, $0xb8;
	[tilespmem:$0x1D000] =	vst v63  }
0x51: {  	_ =	swait.ge [sflag:s26], $0x4000  }
0x52: {  	[sflag:s26] =	ssyncset.done $0x0  }
0x53: {  	s1 =	sadd.s32 $0x2800, s1;
	[sflag:s26] =	ssyncadd.s32 $0xFFFFC000  }
0x54: {  	[spmem:s2] =	stream.indirect.scatter.add.f32 [tilespmem:s18], [sflag:$0x2], $0x80, s1, s21, $0xb8;
	[tilespmem:$0x1D000] =	vst v63  }
0x55: {  	_ =	swait.ge [sflag:s19], $0x4000  }
0x56: {  	[sflag:s19] =	ssyncset.done $0x0  }
0x57: {  	s30 =	sshll.u32 s0, $0x6;
	[sflag:s19] =	ssyncadd.s32 $0xFFFFC000  }
0x58: {  	s31 =	sshrl.u32 s5, $0x3;
	s1 =	sor.u32 $0x1C02, s30;
	[bflag:$0x0] =	sbarrier.arrive $0xFFFF  }
0x59: {  	[hbm:s8], [sflag:s1] =	dma.local [spmem:s31], $0x800  }
0x5a: {  	_ =	swait.ge [sflag:s19], $0x800  }
0x5b: {  	[sflag:s19] =	ssyncset.done $0x0  }
0x5c: {  	[sflag:s19] =	ssyncadd.s32 $0xFFFFF800  }
0x5d: {  	[hbm:s14], [sflag:s1] =	dma.local [spmem:s22], $0x800  }
0x5e: {  	_ =	swait.ge [sflag:s19], $0x800  }
0x5f: {  	[sflag:s19] =	ssyncset.done $0x0  }
0x60: {  	[sflag:s19] =	ssyncadd.s32 $0xFFFFF800  }
0x61: {  	[hbm:s15], [sflag:s1] =	dma.local [spmem:s23], $0x800  }
0x62: {  	_ =	swait.ge [sflag:s19], $0x800  }
0x63: {  	[sflag:s19] =	ssyncset.done $0x0  }
0x64: {  	[sflag:s19] =	ssyncadd.s32 $0xFFFFF800  }
0x65: {  	[hbm:s16], [sflag:s1] =	dma.local [spmem:s24], $0x800  }
0x66: {  	s28 =	sadd.s32 $0x1, s28;
	_ =	swait.ge [sflag:s19], $0x800  }
0x67: {  	p0 =	sne.s32 s28, s9;
	[sflag:s19] =	ssyncset.done $0x0  }
.Ltmp2:
0x68: {  	[sflag:s19] =	ssyncadd.s32 $0xFFFFF800;
	(pc) =	sbr.rel @p0 .LBB2_1-.Ltmp2, $4  }
0x69: {  	[hbm:s17], [sflag:s1] =	dma.local [spmem:s25], $0x800  }
0x6a: {  	_ =	swait.ge [sflag:s19], $0x800  }
0x6b: {  	[sflag:s19] =	ssyncset.done $0x0  }
0x6c: {  	[sflag:s19] =	ssyncadd.s32 $0xFFFFF800  }
0x6d: {  	_ =	sfence.sel $0x180000  }
0x6e: {  	[bflag:$0x0] =	sbarrier.arrive $0xFFFF  }
0x6f: {  	_ =	strace $0x9000004D  }
0x70: {  	[bflag:$0x2] =	sbarrier.arrive $0xFFFF  }
0x71: {  	p0 =	sne.s32 s0, $0x0;
	s0 =	rddreg [dreg:$0x3]  }
0x72: {  	s0 =	sadd.s32 @!p0 $0x100000, s0  }
0x73: {  	[sflag:s0] =	ssyncadd.tile.s32 @!p0 $0x1;
	_ =	shalt  }
.Lfunc_end2:
_tile_overlayer_lowered:
.L_overlay_start_2:
0x74: {  	(tag) =	ssettag $0x2  }
0x75: {  	s0 =	rddreg [dreg:$0x0];
	s2 =	stileid.u32  }
0x76: {  	s1 =	rddreg [dreg:$0x1];
	p0 =	sne.s32 s2, $0x0  }
0x77: {  	s3 =	rddreg [dreg:$0x2];
	[bflag:$0x3] =	sbarrier.arrive $0xFFFF;
	s2 =	simm.s32 @!p0 $0x1C02  }
0x78: {  	[timem:s3], [sflag:s2] =	dma.local @!p0 [hbm:s0], s1  }
0x79: {  	s0 =	simm.s32 @!p0 $0x2  }
0x7a: {  	_ =	swait.ge @!p0 [sflag:s0], s1  }
0x7b: {  	s1 =	ssub.s32 @!p0 $0x0, s1;
	[sflag:s0] =	ssyncset.done @!p0 $0x0  }
0x7c: {  	[sflag:s0] =	ssyncadd.s32 @!p0 s1  }
0x7d: {  	[bflag:$0x3] =	sbarrier.arrive $0xFFFF  }
0x7e: {  	_ =	shalt  }

// kernel: kernel.9.cloned.1.call-start
scs
__scs_entry_jumppad:
0x0: {  	(pc) =	sbr.rel $0x88, $3  }
0x1: {  	(tag) =	ssettag $0x0;
	lr =	simm.s32 $0x1  }
0x2: {  	[smem:$0x3F9B] =	sst lr;
	_ =	strace $0xD0000000  }
0x3: {  	_ = 	snop  }
0x4: {  	_ = 	snop  }
0x5: {  	_ = 	snop  }
0x6: {  	_ = 	snop  }
0x7: {  	_ = 	snop  }
__scs_overlays_trampoline_lowered:
0x8: {  	[smem:$0x3FAA] =	sst s0  }
0x9: {  	[smem:$0x3FAB] =	sst s1  }
0xa: {  	[smem:$0x3FAC] =	sst s2  }
0xb: {  	[smem:$0x3FAD] =	sst s3  }
0xc: {  	[smem:$0x3FAE] =	sst s4  }
0xd: {  	[smem:$0x3FAF] =	sst s5  }
0xe: {  	[smem:$0x3FB0] =	sst s6  }
0xf: {  	[smem:$0x3FB1] =	sst s7  }
0x10: {  	[smem:$0x3FB2] =	sst s8  }
0x11: {  	[smem:$0x3FB3] =	sst s9;
	s0 =	simm.s32 @!p0 $0x0  }
0x12: {  	s1 =	sld [smem:$0x3F99];
	s0 =	simm.s32 @p0 $0x1  }
0x13: {  	[smem:$0x3FB4] =	sst s0;
	s0 =	simm.s32 @!p1 $0x0  }
0x14: {  	s2 =	sld [smem:$0x3F98];
	s0 =	simm.s32 @p1 $0x1  }
0x15: {  	[smem:$0x3FB5] =	sst s0;
	s0 =	simm.s32 @!p2 $0x0  }
0x16: {  	s3 =	sld [smem:$0x3FDB];
	s0 =	simm.s32 @p2 $0x1  }
0x17: {  	s4 =	simm.s32 $0x1BF5;
	[smem:$0x3FB7] =	sst s0  }
0x18: {  	s0 =	sld [smem:$0x3F9A];
	_ =	swait.ge [sflag:s4], $0x0  }
0x19: {  	s7 =	sld [smem:$0x3F9B]  }
0x1a: {  	s8 =	sadd.s32 $0xFFFFE003, lr  }
0x1b: {  	s9 =	sadd.s32 $0xFFFFFEF7, lr;
	s5 =	simm.s32 $0xFFFFFFFF;
	p2 =	slt.u32 s8, $0xFFFFF086  }
0x1c: {  	p1 =	slt.u32 s9, $0xF7A;
	s5 =	simm.s32 @!p2 $0x0  }
0x1d: {  	s5 =	simm.s32 @p1 $0x1;
	p0 =	seq.s32 s7, s2  }
0x1e: {  	s7 =	smul.u32 @!p0 $0xF7A, s2;
	p2 =	seq.s32 @!p0 s5, $0x0  }
0x1f: {  	s9 =	smul.u32 $0xF7A, s1;
	s8 =	simm.s32 @!p0 $0x1BF5;
	p2 =	por !p2, p0  }
0x20: {  	[sflag:s8] =	ssyncset.s32 @!p0 $0xFFFFF086;
	s6 =	sadd.s32 @!p0 s3, s7;
	s7 =	simm.s32 @!p0 $0x108  }
0x21: {  	s3 =	sadd.s32 s3, s9;
	s6 =	sadd.s32 @!p0 $0x88, s6;
	s7 =	simm.s32 @p2 $0x1082  }
0x22: {  	[simem:s7], [sflag:s8] =	dma.local @!p0 [hbm:s6], $0xF7A  }
0x23: {  	s9 =	sor.u32 $0xD0000000, s2;
	s6 =	simm.s32 $0x108;
	_ =	swait.ge @!p0 [sflag:s8], $0x0  }
0x24: {  	s3 =	sadd.s32 $0x88, s3;
	s6 =	simm.s32 @!p1 $0x1082;
	[sflag:s4] =	ssyncset.s32 $0xFFFFF086  }
0x25: {  	[simem:s6], [sflag:s4] =	dma.local [hbm:s3], $0xF7A  }
0x26: {  	[smem:$0x3F9B] =	sst s1;
	(tag) =	ssettag s2;
	_ =	strace s9  }
0x27: {  	s1 =	sld [smem:$0x3FAB]  }
0x28: {  	s2 =	sld [smem:$0x3FAC]  }
0x29: {  	s4 =	sld [smem:$0x3FAE]  }
0x2a: {  	p0 =	seq.s32 s5, $0x0;
	s5 =	sld [smem:$0x3FAF]  }
0x2b: {  	s6 =	sld [smem:$0x3FB0]  }
0x2c: {  	s7 =	sld [smem:$0x3FB1]  }
0x2d: {  	s3 =	simm.s32 $0x108;
	s8 =	sld [smem:$0x3FB2]  }
0x2e: {  	s3 =	simm.s32 @!p0 $0x1082;
	s9 =	sld [smem:$0x3FB3]  }
0x2f: {  	lr =	sadd.s32 s0, s3;
	s0 =	sld [smem:$0x3FAA]  }
0x30: {  	s3 =	sld [smem:$0x3FAD]  }
0x31: {  	[smem:$0x3FB6] =	sst s10  }
0x32: {  	s10 =	sld [smem:$0x3FB4];
	_ =	sdelay $0x3  }
0x33: {  	p0 =	seq.s32 s10, $0x1;
	s10 =	sld [smem:$0x3FB6];
	_ =	sdelay $0x3  }
0x34: {  	[smem:$0x3FB6] =	sst s10  }
0x35: {  	s10 =	sld [smem:$0x3FB5];
	_ =	sdelay $0x3  }
0x36: {  	p1 =	seq.s32 s10, $0x1;
	s10 =	sld [smem:$0x3FB6];
	_ =	sdelay $0x3  }
0x37: {  	[smem:$0x3FB6] =	sst s10  }
0x38: {  	s10 =	sld [smem:$0x3FB7]  }
0x39: {  	_ = 	snop;
	(pc) =	sbr.ind lr, $3  }
0x3a: {  	_ = 	snop  }
0x3b: {  	_ = 	snop  }
0x3c: {  	p2 =	seq.s32 s10, $0x1;
	s10 =	sld [smem:$0x3FB6]  }
0x3d: {  	_ =	shalt  }
0x3e: {  	_ =	shalt  }
0x3f: {  	_ =	shalt  }
0x40: {  	_ =	shalt  }
0x41: {  	_ =	shalt  }
0x42: {  	_ =	shalt  }
0x43: {  	_ =	shalt  }
0x44: {  	_ =	shalt  }
0x45: {  	_ =	shalt  }
0x46: {  	_ =	shalt  }
0x47: {  	_ =	shalt  }
0x48: {  	_ =	shalt  }
0x49: {  	_ =	shalt  }
0x4a: {  	_ =	shalt  }
0x4b: {  	_ =	shalt  }
0x4c: {  	_ =	shalt  }
0x4d: {  	_ =	shalt  }
0x4e: {  	_ =	shalt  }
0x4f: {  	_ =	shalt  }
0x50: {  	_ =	shalt  }
0x51: {  	_ =	shalt  }
0x52: {  	_ =	shalt  }
0x53: {  	_ =	shalt  }
0x54: {  	_ =	shalt  }
0x55: {  	_ =	shalt  }
0x56: {  	_ =	shalt  }
0x57: {  	_ =	shalt  }
0x58: {  	_ =	shalt  }
0x59: {  	_ =	shalt  }
0x5a: {  	_ =	shalt  }
0x5b: {  	_ =	shalt  }
0x5c: {  	_ =	shalt  }
0x5d: {  	_ =	shalt  }
0x5e: {  	_ =	shalt  }
0x5f: {  	_ =	shalt  }
0x60: {  	_ =	shalt  }
0x61: {  	_ =	shalt  }
0x62: {  	_ =	shalt  }
0x63: {  	_ =	shalt  }
0x64: {  	_ =	shalt  }
0x65: {  	_ =	shalt  }
0x66: {  	_ =	shalt  }
0x67: {  	_ =	shalt  }
0x68: {  	_ =	shalt  }
0x69: {  	_ =	shalt  }
0x6a: {  	_ =	shalt  }
0x6b: {  	_ =	shalt  }
0x6c: {  	_ =	shalt  }
0x6d: {  	_ =	shalt  }
0x6e: {  	_ =	shalt  }
0x6f: {  	_ =	shalt  }
0x70: {  	_ =	shalt  }
0x71: {  	_ =	shalt  }
0x72: {  	_ =	shalt  }
0x73: {  	_ =	shalt  }
0x74: {  	_ =	shalt  }
0x75: {  	_ =	shalt  }
0x76: {  	_ =	shalt  }
0x77: {  	_ =	shalt  }
0x78: {  	_ =	shalt  }
0x79: {  	_ =	shalt  }
0x7a: {  	_ =	shalt  }
0x7b: {  	_ =	shalt  }
0x7c: {  	_ =	shalt  }
0x7d: {  	_ =	shalt  }
0x7e: {  	_ =	shalt  }
0x7f: {  	_ =	shalt  }
0x80: {  	_ =	shalt  }
0x81: {  	_ =	shalt  }
0x82: {  	_ =	shalt  }
0x83: {  	_ =	shalt  }
0x84: {  	_ =	shalt  }
0x85: {  	_ =	shalt  }
0x86: {  	_ =	shalt  }
0x87: {  	_ =	shalt  }
.Lfunc_end0:
.L_simem_size_0:
called_computation_lowered:
.L_overlay_start_0:
0x88: {  	s2 =	sld [smem:$0x3FD9]  }
0x89: {  	s3 =	sld [smem:$0x3FFE];
	_ =	sdelay $0x1  }
0x8a: {  	s1 =	srdreg.scid  }
0x8b: {  	s0 =	sand.u32 $0x1, s1  }
0x8c: {  	s14 =	sshll.u32 s0, $0xA;
	s2 =	sadd.s32 s3, s2  }
0x8d: {  	s2 =	sadd.s32 s2, s14  }
0x8e: {  	[smem:$0x3FC2] =	sst s2  }
0x8f: {  	_ = 	snop  }
0x90: {  	s2 =	sld [smem:$0x3FD0];
	_ =	sdelay $0x2  }
0x91: {  	s15 =	simm.s32 $0xA;
	s4 =	simm.s32 $0x10  }
0x92: {  	[smem:s4], [sflag:s15] =	dma.local [hbm:s2], $0x1  }
0x93: {  	_ =	swait.eq [sflag:s15], $0x1  }
0x94: {  	[sflag:s15] =	ssyncset.done $0x0  }
0x95: {  	[sflag:s15] =	ssyncadd.s32 $0xFFFFFFFF  }
0x96: {  	s16 =	sld [smem:$0x10];
	(tm) =	ssettm $0x1  }
0x97: {  	s17 =	sld [smem:$0x3FFB];
	_ =	sdelay $0x3  }
0x98: {  	_ =	strace s17  }
0x99: {  	s3 =	sld [smem:$0x3FFC];
	_ =	sdelay $0x3  }
0x9a: {  	_ =	strace s3  }
0x9b: {  	s3 =	sld [smem:$0x3FFD];
	_ =	sdelay $0x3  }
0x9c: {  	_ =	strace s3  }
0x9d: {  	_ =	strace $0x8FFFFFFF  }
0x9e: {  	s18 =	sld [smem:$0x3FDB];
	_ =	sdelay $0x1  }
0x9f: {  	s19 =	simm.s32 $_scs_section_size  }
0xa0: {  	s5 =	simm.s32 $_size__tile_overlayer_lowered;
	s6 =	simm.s32 $_tile_overlayer_lowered  }
0xa1: {  	s22 =	simm.s32 $0x1BFF;
	s21 =	sshll.u32 s6, $0x1;
	s3 =	sadd.s32 s19, s18  }
0xa2: {  	s7 =	simm.s32 $0x0;
	s20 =	sshll.u32 s5, $0x1;
	s5 =	sadd.s32 s21, s3  }
0xa3: {  	[timem:s7], [sflag:s22] =	dma.local [hbm:s5], s20  }
0xa4: {  	_ =	swait.ge [sflag:s22], s20  }
0xa5: {  	s4 =	ssub.s32 $0x0, s20;
	[sflag:s22] =	ssyncset.done $0x0  }
0xa6: {  	[sflag:s22] =	ssyncadd.s32 s4;
	_ =	sdelay $0x1  }
0xa7: {  	s23 =	simm.s32 $0x1B8B  }
0xa8: {  	_ =	swait.ge [sflag:s23], $0x1  }
0xa9: {  	[sflag:s23] =	ssyncset.done $0x0  }
0xaa: {  	s25 =	simm.s32 $0x1B8E;
	s24 =	sld [smem:$0x3FFE];
	[sflag:s23] =	ssyncadd.s32 $0xFFFFFFFF  }
0xab: {  	s26 =	simm.s32 $execute0_lowered;
	[smem:$0x3FD2] =	sst s25  }
0xac: {  	s5 =	sshll.u32 s26, $0x1;
	_ =	strace $0x80000046;
	[dreg:$0x1] =	wrdreg $0xFFFFFFFF  }
0xad: {  	s28 =	simm.s32 $_size_execute0_lowered;
	s3 =	sadd.s32 s3, s5;
	[dreg:$0x0] =	wrdreg $0x0  }
0xae: {  	s5 =	sshll.u32 s28, $0x1;
	[dreg:$0x2] =	wrdreg s3  }
0xaf: {  	[dreg:$0x3] =	wrdreg s5  }
0xb0: {  	[dreg:$0x4] =	wrdreg $0xC0  }
0xb1: {  	_ =	task [dreg:s7], $0x5FFFF  }
0xb2: {  	[dreg:$0x1] =	wrdreg $0xFFFFFFFF  }
0xb3: {  	[dreg:$0x0] =	wrdreg $0x60  }
0xb4: {  	[dreg:$0x2] =	wrdreg s16  }
0xb5: {  	[dreg:$0x3] =	wrdreg s24  }
0xb6: {  	[dreg:$0x4] =	wrdreg $0xA8000  }
0xb7: {  	[dreg:$0x5] =	wrdreg $0x9  }
0xb8: {  	_ =	task.clear_ibuf [dreg:s7], $0x6FFFF;
	_ =	strace $0x90000046  }
0xb9: {  	s29 =	simm.s32 $0x9;
	_ =	strace $0x80000048  }
0xba: {  	_ =	swait.ge [sflag:s29], $0x1  }
0xbb: {  	[sflag:s29] =	ssyncadd.s32 $0xFFFFFFFF  }
0xbc: {  	_ =	strace $0x90000048  }
0xbd: {  	_ =	sfence  }
0xbe: {  	s30 =	sld [smem:$0x0];
	_ =	sdelay $0x2  }
0xbf: {  	s31 =	sshll.u32 s1, $0xD;
	s1 =	sshrl.u32 s1, $0x2  }
0xc0: {  	s3 =	sand.u32 $0x4000, s31;
	s1 =	sadd.s32 s1, s30  }
0xc1: {  	s0 =	sor.u32 s3, s0;
	s1 =	sshll.u32 s1, $0x11  }
0xc2: {  	s0 =	sor.u32 s1, s0  }
0xc3: {  	s0 =	sadd.s32 $0x8F2B, s0  }
0xc4: {  	[sflag:s0] =	ssyncadd.remote.s32 $0x1  }
0xc5: {  	_ =	sfence.sel $0xFFFF  }
0xc6: {  	[dreg:$0x0] =	wrdreg $0xFFFFFFFF;
	(pc) =	sbr.abs _section_cstart, $3  }
0xc7: {  	[dreg:$0x1] =	wrdreg $0xFFFFFFFF  }
0xc8: {  	_ =	task.clear_ibuf [dreg:s7], $0x2FFFF;
	_ =	strace $0x9FFFFFFF  }
0xc9: {  	(tm) =	ssettm $0x7FFFFFFF  }
tec
execute0_lowered:
.L_overlay_start_1:
0x0: {  	(tag) =	ssettag $0x1  }
0x1: {  	s5 =	rddreg [dreg:$0x0]  }
0x2: {  	s4 =	rddreg [dreg:$0x1]  }
0x3: {  	s1 =	rddreg [dreg:$0x2]  }
0x4: {  	s0 =	rddreg [dreg:$0x3];
	s2 =	simm.s32 $0x0;
	s3 =	srdreg.scid  }
0x5: {  	[smem:$0x7FF] =	sst s2;
	s6 =	sand.u32 $0x1, s3  }
0x6: {  	s3 =	stileid.u32;
	s15 =	sadd.s32 $0x2600, s4;
	s14 =	smul.u32 $0x140000, s6  }
0x7: {  	_ =	strace $0x80000047;
	s24 =	sshll.u32 s6, $0x4;
	s13 =	smul.u32 $0x14000, s3  }
0x8: {  	s6 =	ssub.s32 $0x2, s6;
	s7 =	smul.u32 $0x50000, s3;
	s4 =	sor.u32 s3, s24  }
0x9: {  	s8 =	sshrl.u32 s6, $0x1;
	s9 =	smul.u32 $0x500, s4;
	s25 =	sadd.s32 s14, s13  }
0xa: {  	s8 =	ssub.s32 s6, s8;
	s26 =	sshrl.u32 s7, $0x2;
	s16 =	sadd.s32 $0x4000, s13  }
0xb: {  	s17 =	sadd.s32 $0x8000, s13;
	s18 =	sadd.s32 $0xC000, s13;
	s19 =	sadd.s32 $0x10000, s13  }
0xc: {  	s28 =	sshrl.u32 s25, $0x3;
	s4 =	sadd.s32 s26, s1;
	s7 =	smax.u32 s8, $0x1  }
0xd: {  	s12 =	sadd.s32 s14, s16;
	s20 =	sadd.s32 s16, s1;
	s29 =	sadd.s32 s14, s17  }
0xe: {  	s30 =	sadd.s32 s14, s18;
	s14 =	sadd.s32 s14, s19;
	s21 =	sadd.s32 s17, s1  }
0xf: {  	s22 =	sadd.s32 s18, s1;
	s23 =	sadd.s32 s19, s1;
	s17 =	simm.s32 $0x1  }
0x10: {  	s18 =	simm.s32 $0x80;
	s19 =	simm.s32 $0x2800;
	s5 =	sadd.s32 s5, s9  }
0x11: {  	s6 =	sadd.s32 s15, s28;
	s8 =	sadd.s32 $0x4000, s4;
	s9 =	sadd.s32 $0x8000, s4  }
0x12: {  	s10 =	sadd.s32 $0xC000, s4;
	s11 =	sadd.s32 $0x10000, s4;
	s12 =	sshrl.u32 s12, $0x3  }
0x13: {  	s16 =	sshrl.u32 s29, $0x3;
	s31 =	sshrl.u32 s14, $0x3;
	s20 =	sshrl.u32 s20, $0x3  }
0x14: {  	s21 =	sshrl.u32 s21, $0x3;
	s22 =	sshrl.u32 s22, $0x3;
	s23 =	sshrl.u32 s23, $0x3  }
0x15: {  	s12 =	sadd.s32 s15, s12;
	s13 =	sadd.s32 s15, s16;
	s16 =	sshrl.u32 s30, $0x3  }
0x16: {  	v0 =	vimm.f32 $1.000000000e+00;
	v1 =	vimm.f32 $0.0e+00;
	s14 =	sadd.s32 s15, s16;
	s15 =	sadd.s32 s15, s31;
	s16 =	simm.s32 $0x6800  }
.LBB2_1:
0x17: {  	s24 =	simm.s32 $0x200;
	s25 =	simm.s32 $0x0  }
.LBB2_2:
0x18: {  	p0 =	sne.s32 s24, $0xFE00;
	[tilespmem:s25+$0x2800] =	vst v0;
	s26 =	smov.u32 s24;
	s24 =	sadd.s32 $0x200, s24  }
.Ltmp0:
0x19: {  	[tilespmem:s25+$0x6800] =	vst v1;
	(pc) =	sbr.rel @p0 .LBB2_2-.Ltmp0, $2  }
0x1a: {  	_ =	sdelay $0x2  }
0x1b: {  	s25 =	sshra.s32 s26, $0x2  }
0x1c: {  	[tilespmem:s25+$0x2800] =	vst v0  }
0x1d: {  	[tilespmem:s25+$0x6800] =	vst v1  }
0x1e: {  	[spmem:s4] =	stream.linear.scatter [tilespmem:s16], [sflag:$0x1], $0x4000, $0x38;
	[tilespmem:$0xD000] =	vst v63  }
0x1f: {  	_ =	swait.ge [sflag:s17], $0x4000  }
0x20: {  	[sflag:s17] =	ssyncset.done $0x0  }
0x21: {  	[sflag:s17] =	ssyncadd.s32 $0xFFFFC000  }
0x22: {  	[spmem:s8] =	stream.linear.scatter [tilespmem:s16], [sflag:$0x1], $0x4000, $0x38;
	[tilespmem:$0xD000] =	vst v63  }
0x23: {  	_ =	swait.ge [sflag:s17], $0x4000  }
0x24: {  	[sflag:s17] =	ssyncset.done $0x0  }
0x25: {  	[sflag:s17] =	ssyncadd.s32 $0xFFFFC000  }
0x26: {  	[spmem:s9] =	stream.linear.scatter [tilespmem:s16], [sflag:$0x1], $0x4000, $0x38;
	[tilespmem:$0xD000] =	vst v63  }
0x27: {  	_ =	swait.ge [sflag:s17], $0x4000  }
0x28: {  	[sflag:s17] =	ssyncset.done $0x0  }
0x29: {  	[sflag:s17] =	ssyncadd.s32 $0xFFFFC000  }
0x2a: {  	[spmem:s10] =	stream.linear.scatter [tilespmem:s16], [sflag:$0x1], $0x4000, $0x38;
	[tilespmem:$0xD000] =	vst v63  }
0x2b: {  	_ =	swait.ge [sflag:s17], $0x4000  }
0x2c: {  	[sflag:s17] =	ssyncset.done $0x0  }
0x2d: {  	[sflag:s17] =	ssyncadd.s32 $0xFFFFC000  }
0x2e: {  	[spmem:s11] =	stream.linear.scatter [tilespmem:s16], [sflag:$0x1], $0x4000, $0x38;
	[tilespmem:$0xD000] =	vst v63  }
0x2f: {  	_ =	swait.ge [sflag:s17], $0x4000  }
0x30: {  	[sflag:s17] =	ssyncset.done $0x0  }
0x31: {  	s24 =	simm.s32 $0x0;
	[sflag:s17] =	ssyncadd.s32 $0xFFFFC000  }
0x32: {  	[tilespmem:s24], [sflag:$0x1] =	stream.linear.gather [hbm4b:s5+s24], $0x2780, $0x38;
	[tilespmem:$0xD000] =	vst v63  }
0x33: {  	_ =	swait.ge [sflag:s17], $0x2780  }
0x34: {  	[sflag:s17] =	ssyncset.done $0x0  }
0x35: {  	[sflag:s17] =	ssyncadd.s32 $0xFFFFD880  }
0x36: {  	s31 =	simm.s32 $0x0;
	[bflag:$0x0] =	sbarrier.arrive $0xFFFF  }
0x37: {  	[spmem:s1] =	stream.indirect.scatter.add.f32 [tilespmem:s19], [sflag:$0x1], $0x10, s31, s18, $0xb8;
	[tilespmem:$0xD000] =	vst v63  }
0x38: {  	_ =	swait.ge [sflag:s17], $0x800  }
0x39: {  	s24 =	simm.s32 $0x200;
	[sflag:s17] =	ssyncset.done $0x0  }
.LBB2_4:
0x3a: {  	s25 =	sshra.s32 s24, $0x2;
	[sflag:s17] =	ssyncadd.s32 $0xFFFFF800;
	p0 =	sne.s32 s24, $0x9C00  }
0x3b: {  	[spmem:s1] =	stream.indirect.scatter.add.f32 [tilespmem:s19], [sflag:$0x1], $0x10, s25, s18, $0xb8;
	[tilespmem:$0xD000] =	vst v63  }
.Ltmp1:
0x3c: {  	_ = 	snop;
	(pc) =	sbr.rel @p0 .LBB2_4-.Ltmp1, $4  }
0x3d: {  	_ = 	snop  }
0x3e: {  	s24 =	sadd.s32 $0x200, s24  }
0x3f: {  	_ =	swait.ge [sflag:s17], $0x800  }
0x40: {  	[sflag:s17] =	ssyncset.done $0x0  }
0x41: {  	[sflag:s17] =	ssyncadd.s32 $0xFFFFF800;
	s24 =	sshll.u32 s3, $0x6  }
0x42: {  	s25 =	sshrl.u32 s4, $0x3;
	[bflag:$0x0] =	sbarrier.arrive $0xFFFF;
	s24 =	sor.u32 $0x1C01, s24  }
0x43: {  	[hbm:s6], [sflag:s24] =	dma.local [spmem:s25], $0x800  }
0x44: {  	_ =	swait.ge [sflag:s17], $0x800  }
0x45: {  	[sflag:s17] =	ssyncset.done $0x0  }
0x46: {  	[sflag:s17] =	ssyncadd.s32 $0xFFFFF800  }
0x47: {  	[hbm:s12], [sflag:s24] =	dma.local [spmem:s20], $0x800  }
0x48: {  	_ =	swait.ge [sflag:s17], $0x800  }
0x49: {  	[sflag:s17] =	ssyncset.done $0x0  }
0x4a: {  	[sflag:s17] =	ssyncadd.s32 $0xFFFFF800  }
0x4b: {  	[hbm:s13], [sflag:s24] =	dma.local [spmem:s21], $0x800  }
0x4c: {  	_ =	swait.ge [sflag:s17], $0x800  }
0x4d: {  	[sflag:s17] =	ssyncset.done $0x0  }
0x4e: {  	[sflag:s17] =	ssyncadd.s32 $0xFFFFF800  }
0x4f: {  	[hbm:s14], [sflag:s24] =	dma.local [spmem:s22], $0x800  }
0x50: {  	s2 =	sadd.s32 $0x1, s2;
	_ =	swait.ge [sflag:s17], $0x800  }
0x51: {  	p0 =	sne.s32 s2, s7;
	[sflag:s17] =	ssyncset.done $0x0  }
.Ltmp2:
0x52: {  	[sflag:s17] =	ssyncadd.s32 $0xFFFFF800;
	(pc) =	sbr.rel @p0 .LBB2_1-.Ltmp2, $4  }
0x53: {  	[hbm:s15], [sflag:s24] =	dma.local [spmem:s23], $0x800  }
0x54: {  	_ =	swait.ge [sflag:s17], $0x800  }
0x55: {  	[sflag:s17] =	ssyncset.done $0x0  }
0x56: {  	[sflag:s17] =	ssyncadd.s32 $0xFFFFF800  }
0x57: {  	_ =	sfence.sel $0x180000  }
0x58: {  	[bflag:$0x0] =	sbarrier.arrive $0xFFFF  }
0x59: {  	p0 =	sne.s32 s3, $0x0;
	_ =	strace $0x90000047  }
0x5a: {  	s0 =	sadd.s32 @!p0 $0x100000, s0;
	[bflag:$0x2] =	sbarrier.arrive $0xFFFF  }
0x5b: {  	[sflag:s0] =	ssyncadd.tile.s32 @!p0 $0x1;
	_ =	shalt  }
.Lfunc_end2:
_tile_overlayer_lowered:
.L_overlay_start_2:
0x5c: {  	(tag) =	ssettag $0x2  }
0x5d: {  	s0 =	rddreg [dreg:$0x0];
	s2 =	stileid.u32  }
0x5e: {  	s1 =	rddreg [dreg:$0x1];
	p0 =	sne.s32 s2, $0x0  }
0x5f: {  	s3 =	rddreg [dreg:$0x2];
	[bflag:$0x3] =	sbarrier.arrive $0xFFFF;
	s2 =	simm.s32 @!p0 $0x1C01  }
0x60: {  	[timem:s3], [sflag:s2] =	dma.local @!p0 [hbm:s0], s1  }
0x61: {  	s0 =	simm.s32 @!p0 $0x1  }
0x62: {  	_ =	swait.ge @!p0 [sflag:s0], s1  }
0x63: {  	s1 =	ssub.s32 @!p0 $0x0, s1;
	[sflag:s0] =	ssyncset.done @!p0 $0x0  }
0x64: {  	[sflag:s0] =	ssyncadd.s32 @!p0 s1  }
0x65: {  	[bflag:$0x3] =	sbarrier.arrive $0xFFFF  }
0x66: {  	_ =	shalt  }

</sc_bundles>
